<compile_context>
chip_gen: v7x
topology: tpu7x:2x2x1
jax: 0.10.2.dev20260603
libtpu: 0.0.44.dev20260713+nightly
codegen_flags: <defaults>
</compile_context>

<pallas_src>
import functools

import jax
import jax.numpy as jnp
from jax import lax
from jax.experimental import pallas as pl
from jax.experimental.pallas import tpu as pltpu
from jax.experimental.pallas import tpu_sc as plsc

N_EDGES = 320000
D_FEAT = 128
N_SEGMENTS = 10000

NUM_CORES = 2
NUM_SUBCORES = 16
HALF = D_FEAT // NUM_CORES

EDGES_PER_TILE = N_EDGES // NUM_SUBCORES
ROWS_PER_SCATTER = 128
CHUNK_EDGES = 2 * ROWS_PER_SCATTER
N_FULL = EDGES_PER_TILE // CHUNK_EDGES
TAIL = EDGES_PER_TILE - N_FULL * CHUNK_EDGES
NBUF = 5
N_GROUPS = 15
SEG_PER_TILE = N_SEGMENTS // NUM_SUBCORES


def _sc_body(data_hbm, seg_hbm, zero_hbm, out_hbm, acc,
             idx0, idx1, idx2, idx3, idx4, idxt, d0, d1, d2, d3, d4, dt,
             sem0, sem1, sem2, sem3, sem4, ssem):
    c = lax.axis_index("c")
    s = lax.axis_index("s")
    col0 = c * HALF
    seg0 = s * SEG_PER_TILE
    edge_base = s * EDGES_PER_TILE

    def start_load(chunk, idx_v, data_v, sem):
        e = edge_base + chunk * CHUNK_EDGES
        pltpu.async_copy(seg_hbm.at[pl.ds(e, CHUNK_EDGES)], idx_v, sem)
        pltpu.async_copy(
            data_hbm.at[pl.ds(e, CHUNK_EDGES), pl.ds(col0, HALF)],
            data_v, sem)

    def wait_load(chunk, idx_v, data_v, sem):
        e = edge_base + chunk * CHUNK_EDGES
        pltpu.make_async_copy(seg_hbm.at[pl.ds(e, CHUNK_EDGES)], idx_v,
                              sem).wait()
        pltpu.make_async_copy(
            data_hbm.at[pl.ds(e, CHUNK_EDGES), pl.ds(col0, HALF)],
            data_v, sem).wait()

    def scatter(idx_v, data_v):
        handles = [
            pltpu.async_copy(
                data_v.at[pl.ds(j * ROWS_PER_SCATTER, ROWS_PER_SCATTER)],
                acc.at[idx_v.at[pl.ds(j * ROWS_PER_SCATTER,
                                      ROWS_PER_SCATTER)]],
                ssem, add=True)
            for j in range(CHUNK_EDGES // ROWS_PER_SCATTER)
        ]
        for h in handles:
            h.wait()

    bufs = ((idx0, d0, sem0), (idx1, d1, sem1), (idx2, d2, sem2),
            (idx3, d3, sem3), (idx4, d4, sem4))

    for b in range(NBUF):
        start_load(b, *bufs[b])
    pltpu.sync_copy(zero_hbm.at[pl.ds(seg0, SEG_PER_TILE)],
                    acc.at[pl.ds(seg0, SEG_PER_TILE)])
    plsc.subcore_barrier()

    def group_body(k, carry):
        c0 = NBUF * k
        for b in range(NBUF):
            idx_v, data_v, sem = bufs[b]
            wait_load(c0 + b, idx_v, data_v, sem)
            scatter(idx_v, data_v)

            @pl.when(c0 + b + NBUF < N_FULL)
            def _():
                start_load(c0 + b + NBUF, idx_v, data_v, sem)

        return carry

    lax.fori_loop(0, N_GROUPS, group_body, 0)

    et = edge_base + N_FULL * CHUNK_EDGES
    pltpu.async_copy(seg_hbm.at[pl.ds(et, TAIL)], idxt, sem3)
    pltpu.async_copy(data_hbm.at[pl.ds(et, TAIL), pl.ds(col0, HALF)],
                     dt, sem3)
    wait_load(N_FULL - 3, idx0, d0, sem0)
    scatter(idx0, d0)
    wait_load(N_FULL - 2, idx1, d1, sem1)
    scatter(idx1, d1)
    wait_load(N_FULL - 1, idx2, d2, sem2)
    scatter(idx2, d2)
    pltpu.make_async_copy(seg_hbm.at[pl.ds(et, TAIL)], idxt, sem3).wait()
    pltpu.make_async_copy(
        data_hbm.at[pl.ds(et, TAIL), pl.ds(col0, HALF)], dt, sem3).wait()
    pltpu.async_copy(dt, acc.at[idxt], ssem, add=True).wait()

    plsc.subcore_barrier()

    pltpu.sync_copy(acc.at[pl.ds(seg0, SEG_PER_TILE)],
                    out_hbm.at[pl.ds(seg0, SEG_PER_TILE), pl.ds(col0, HALF)])


@functools.partial(jax.jit, static_argnames=())
def _segment_sum_sc(data, seg_ids, zeros):
    mesh = plsc.VectorSubcoreMesh(core_axis_name="c", subcore_axis_name="s")
    return pl.kernel(
        _sc_body,
        out_type=jax.ShapeDtypeStruct((N_SEGMENTS, D_FEAT), jnp.float32),
        mesh=mesh,
        scratch_types=[
            pltpu.MemorySpace.VMEM_SHARED((N_SEGMENTS, HALF), jnp.float32),
            pltpu.VMEM((CHUNK_EDGES,), jnp.int32),
            pltpu.VMEM((CHUNK_EDGES,), jnp.int32),
            pltpu.VMEM((CHUNK_EDGES,), jnp.int32),
            pltpu.VMEM((CHUNK_EDGES,), jnp.int32),
            pltpu.VMEM((CHUNK_EDGES,), jnp.int32),
            pltpu.VMEM((TAIL,), jnp.int32),
            pltpu.VMEM((CHUNK_EDGES, HALF), jnp.float32),
            pltpu.VMEM((CHUNK_EDGES, HALF), jnp.float32),
            pltpu.VMEM((CHUNK_EDGES, HALF), jnp.float32),
            pltpu.VMEM((CHUNK_EDGES, HALF), jnp.float32),
            pltpu.VMEM((CHUNK_EDGES, HALF), jnp.float32),
            pltpu.VMEM((TAIL, HALF), jnp.float32),
            pltpu.SemaphoreType.DMA,
            pltpu.SemaphoreType.DMA,
            pltpu.SemaphoreType.DMA,
            pltpu.SemaphoreType.DMA,
            pltpu.SemaphoreType.DMA,
            pltpu.SemaphoreType.DMA,
        ],
        compiler_params=pltpu.CompilerParams(use_tc_tiling_on_sc=False),
    )(data, seg_ids, zeros)


def kernel(data, segment_ids):
    seg_ids = segment_ids.astype(jnp.int32)
    zeros = jnp.zeros((N_SEGMENTS, HALF), jnp.float32)
    return _segment_sum_sc(data, seg_ids, zeros)

# --- scband reference (transcript-rebuilt; emitter-appended) ---
"""Pipeline reference for scband-batch-aggregator-16088947491445 (READ-ONLY COPY).

The authoritative reference and input builder live on the scoring server;
editing this copy changes nothing except your own understanding.
"""

import jax, jax.numpy as jnp
import numpy as np

N_EDGES = 320000
D_FEAT = 128
N_SEGMENTS = 10000

def setup_inputs(seed: int = 0) -> dict:
    key = jax.random.key(seed)
    k1, k2 = jax.random.split(key)
    data = jax.random.normal(k1, (N_EDGES, D_FEAT), dtype=jnp.float32)
    segment_ids = jnp.sort(jax.random.randint(k2, (N_EDGES,), 0, N_SEGMENTS, dtype=jnp.int64))
    return {"data": data, "segment_ids": segment_ids}

def reference(data, segment_ids):
    # _BatchAggregator with aggregation='add' -> torch_scatter.scatter_add over segment ids
    out = jax.ops.segment_sum(data, segment_ids, num_segments=N_SEGMENTS)
    return out

if __name__ == "__main__":
    import jax
    _d = setup_inputs()
    print(jax.jit(kernel)(*tuple(_d.values())))

</pallas_src>

<mosaic_0001>
#map = affine_map<(d0, d1) -> (0, 0)>
#map1 = affine_map<(d0, d1) -> (0)>
module attributes {stable_mosaic.version = 14 : i64} {
  func.func @_sc_body(%arg0: i32, %arg1: i32, %arg2: memref<320000x128xf32, #tpu.memory_space<hbm>>, %arg3: memref<320000xi32, #tpu.memory_space<hbm>>, %arg4: memref<10000x64xf32, #tpu.memory_space<hbm>>, %arg5: memref<10000x128xf32, #tpu.memory_space<hbm>>, %arg6: memref<10000x64xf32, #tpu.memory_space<vmem_shared>>, %arg7: memref<256xi32, #tpu.memory_space<vmem>>, %arg8: memref<256xi32, #tpu.memory_space<vmem>>, %arg9: memref<256xi32, #tpu.memory_space<vmem>>, %arg10: memref<256xi32, #tpu.memory_space<vmem>>, %arg11: memref<256xi32, #tpu.memory_space<vmem>>, %arg12: memref<32xi32, #tpu.memory_space<vmem>>, %arg13: memref<256x64xf32, #tpu.memory_space<vmem>>, %arg14: memref<256x64xf32, #tpu.memory_space<vmem>>, %arg15: memref<256x64xf32, #tpu.memory_space<vmem>>, %arg16: memref<256x64xf32, #tpu.memory_space<vmem>>, %arg17: memref<256x64xf32, #tpu.memory_space<vmem>>, %arg18: memref<32x64xf32, #tpu.memory_space<vmem>>, %arg19: memref<!tpu.dma_semaphore, #tpu.memory_space<semaphore_mem>>, %arg20: memref<!tpu.dma_semaphore, #tpu.memory_space<semaphore_mem>>, %arg21: memref<!tpu.dma_semaphore, #tpu.memory_space<semaphore_mem>>, %arg22: memref<!tpu.dma_semaphore, #tpu.memory_space<semaphore_mem>>, %arg23: memref<!tpu.dma_semaphore, #tpu.memory_space<semaphore_mem>>, %arg24: memref<!tpu.dma_semaphore, #tpu.memory_space<semaphore_mem>>) attributes {dimension_semantics = [#tpu.dimension_semantics<core_parallel>, #tpu.dimension_semantics<subcore_parallel>], iteration_bounds = array<i64: 2, 16>, scalar_prefetch = 0 : i64, scratch_operands = 19 : i64, tpu.core_type = #tpu.core_type<sc_vector_subcore>, window_params = [{transform_indices = #map}, {transform_indices = #map1}, {transform_indices = #map}, {transform_indices = #map}]} {
    %mul3A = arith.constant 64 : i32
    %mul3A_0 = arith.muli %arg0, %mul3A : i32
    %mul3A_1 = arith.constant 625 : i32
    %mul3A_2 = arith.muli %arg1, %mul3A_1 : i32
    %mul3A_3 = arith.constant 20000 : i32
    %mul3A_4 = arith.muli %arg1, %mul3A_3 : i32
    %add3A = arith.constant 0 : i32
    %add3A_5 = arith.addi %mul3A_4, %add3A : i32
    %dma_start3A = tpu.memref_slice %arg3[%add3A_5] : memref<320000xi32, #tpu.memory_space<hbm>> -> memref<256xi32, #tpu.memory_space<hbm>>
    %dma_start3A_6 = tpu.memref_slice %arg3[%add3A_5] : memref<320000xi32, #tpu.memory_space<hbm>> -> memref<256xi32, #tpu.memory_space<hbm>>
    tpu.enqueue_dma source(%dma_start3A_6 : memref<256xi32, #tpu.memory_space<hbm>>) target(%arg7 : memref<256xi32, #tpu.memory_space<vmem>>) target_semaphore(%arg19 : memref<!tpu.dma_semaphore, #tpu.memory_space<semaphore_mem>>)
    %dma_start3A_7 = tpu.memref_slice %arg2[%add3A_5, %mul3A_0] : memref<320000x128xf32, #tpu.memory_space<hbm>> -> memref<256x64xf32, #tpu.memory_space<hbm>>
    %dma_start3A_8 = tpu.memref_slice %arg2[%add3A_5, %mul3A_0] : memref<320000x128xf32, #tpu.memory_space<hbm>> -> memref<256x64xf32, #tpu.memory_space<hbm>>
    tpu.enqueue_dma source(%dma_start3A_8 : memref<256x64xf32, #tpu.memory_space<hbm>>) target(%arg13 : memref<256x64xf32, #tpu.memory_space<vmem>>) target_semaphore(%arg19 : memref<!tpu.dma_semaphore, #tpu.memory_space<semaphore_mem>>)
    %add3A_9 = arith.constant 256 : i32
    %add3A_10 = arith.addi %mul3A_4, %add3A_9 : i32
    %dma_start3A_11 = tpu.memref_slice %arg3[%add3A_10] : memref<320000xi32, #tpu.memory_space<hbm>> -> memref<256xi32, #tpu.memory_space<hbm>>
    %dma_start3A_12 = tpu.memref_slice %arg3[%add3A_10] : memref<320000xi32, #tpu.memory_space<hbm>> -> memref<256xi32, #tpu.memory_space<hbm>>
    tpu.enqueue_dma source(%dma_start3A_12 : memref<256xi32, #tpu.memory_space<hbm>>) target(%arg8 : memref<256xi32, #tpu.memory_space<vmem>>) target_semaphore(%arg20 : memref<!tpu.dma_semaphore, #tpu.memory_space<semaphore_mem>>)
    %dma_start3A_13 = tpu.memref_slice %arg2[%add3A_10, %mul3A_0] : memref<320000x128xf32, #tpu.memory_space<hbm>> -> memref<256x64xf32, #tpu.memory_space<hbm>>
    %dma_start3A_14 = tpu.memref_slice %arg2[%add3A_10, %mul3A_0] : memref<320000x128xf32, #tpu.memory_space<hbm>> -> memref<256x64xf32, #tpu.memory_space<hbm>>
    tpu.enqueue_dma source(%dma_start3A_14 : memref<256x64xf32, #tpu.memory_space<hbm>>) target(%arg14 : memref<256x64xf32, #tpu.memory_space<vmem>>) target_semaphore(%arg20 : memref<!tpu.dma_semaphore, #tpu.memory_space<semaphore_mem>>)
    %add3A_15 = arith.constant 512 : i32
    %add3A_16 = arith.addi %mul3A_4, %add3A_15 : i32
    %dma_start3A_17 = tpu.memref_slice %arg3[%add3A_16] : memref<320000xi32, #tpu.memory_space<hbm>> -> memref<256xi32, #tpu.memory_space<hbm>>
    %dma_start3A_18 = tpu.memref_slice %arg3[%add3A_16] : memref<320000xi32, #tpu.memory_space<hbm>> -> memref<256xi32, #tpu.memory_space<hbm>>
    tpu.enqueue_dma source(%dma_start3A_18 : memref<256xi32, #tpu.memory_space<hbm>>) target(%arg9 : memref<256xi32, #tpu.memory_space<vmem>>) target_semaphore(%arg21 : memref<!tpu.dma_semaphore, #tpu.memory_space<semaphore_mem>>)
    %dma_start3A_19 = tpu.memref_slice %arg2[%add3A_16, %mul3A_0] : memref<320000x128xf32, #tpu.memory_space<hbm>> -> memref<256x64xf32, #tpu.memory_space<hbm>>
    %dma_start3A_20 = tpu.memref_slice %arg2[%add3A_16, %mul3A_0] : memref<320000x128xf32, #tpu.memory_space<hbm>> -> memref<256x64xf32, #tpu.memory_space<hbm>>
    tpu.enqueue_dma source(%dma_start3A_20 : memref<256x64xf32, #tpu.memory_space<hbm>>) target(%arg15 : memref<256x64xf32, #tpu.memory_space<vmem>>) target_semaphore(%arg21 : memref<!tpu.dma_semaphore, #tpu.memory_space<semaphore_mem>>)
    %add3A_21 = arith.constant 768 : i32
    %add3A_22 = arith.addi %mul3A_4, %add3A_21 : i32
    %dma_start3A_23 = tpu.memref_slice %arg3[%add3A_22] : memref<320000xi32, #tpu.memory_space<hbm>> -> memref<256xi32, #tpu.memory_space<hbm>>
    %dma_start3A_24 = tpu.memref_slice %arg3[%add3A_22] : memref<320000xi32, #tpu.memory_space<hbm>> -> memref<256xi32, #tpu.memory_space<hbm>>
    tpu.enqueue_dma source(%dma_start3A_24 : memref<256xi32, #tpu.memory_space<hbm>>) target(%arg10 : memref<256xi32, #tpu.memory_space<vmem>>) target_semaphore(%arg22 : memref<!tpu.dma_semaphore, #tpu.memory_space<semaphore_mem>>)
    %dma_start3A_25 = tpu.memref_slice %arg2[%add3A_22, %mul3A_0] : memref<320000x128xf32, #tpu.memory_space<hbm>> -> memref<256x64xf32, #tpu.memory_space<hbm>>
    %dma_start3A_26 = tpu.memref_slice %arg2[%add3A_22, %mul3A_0] : memref<320000x128xf32, #tpu.memory_space<hbm>> -> memref<256x64xf32, #tpu.memory_space<hbm>>
    tpu.enqueue_dma source(%dma_start3A_26 : memref<256x64xf32, #tpu.memory_space<hbm>>) target(%arg16 : memref<256x64xf32, #tpu.memory_space<vmem>>) target_semaphore(%arg22 : memref<!tpu.dma_semaphore, #tpu.memory_space<semaphore_mem>>)
    %add3A_27 = arith.constant 1024 : i32
    %add3A_28 = arith.addi %mul3A_4, %add3A_27 : i32
    %dma_start3A_29 = tpu.memref_slice %arg3[%add3A_28] : memref<320000xi32, #tpu.memory_space<hbm>> -> memref<256xi32, #tpu.memory_space<hbm>>
    %dma_start3A_30 = tpu.memref_slice %arg3[%add3A_28] : memref<320000xi32, #tpu.memory_space<hbm>> -> memref<256xi32, #tpu.memory_space<hbm>>
    tpu.enqueue_dma source(%dma_start3A_30 : memref<256xi32, #tpu.memory_space<hbm>>) target(%arg11 : memref<256xi32, #tpu.memory_space<vmem>>) target_semaphore(%arg23 : memref<!tpu.dma_semaphore, #tpu.memory_space<semaphore_mem>>)
    %dma_start3A_31 = tpu.memref_slice %arg2[%add3A_28, %mul3A_0] : memref<320000x128xf32, #tpu.memory_space<hbm>> -> memref<256x64xf32, #tpu.memory_space<hbm>>
    %dma_start3A_32 = tpu.memref_slice %arg2[%add3A_28, %mul3A_0] : memref<320000x128xf32, #tpu.memory_space<hbm>> -> memref<256x64xf32, #tpu.memory_space<hbm>>
    tpu.enqueue_dma source(%dma_start3A_32 : memref<256x64xf32, #tpu.memory_space<hbm>>) target(%arg17 : memref<256x64xf32, #tpu.memory_space<vmem>>) target_semaphore(%arg23 : memref<!tpu.dma_semaphore, #tpu.memory_space<semaphore_mem>>)
    "tpu.region"() ({
      %run_scoped3A = tpu.sem_alloc : memref<!tpu.dma_semaphore, #tpu.memory_space<semaphore_mem>>
      %dma_start3A_168 = arith.constant 0 : i32
      %dma_start3A_169 = tpu.memref_slice %arg6[%mul3A_2, %dma_start3A_168] : memref<10000x64xf32, #tpu.memory_space<vmem_shared>> -> memref<625x64xf32, #tpu.memory_space<vmem_shared>>
      %dma_start3A_170 = arith.constant 0 : i32
      %dma_start3A_171 = tpu.memref_slice %arg4[%mul3A_2, %dma_start3A_170] : memref<10000x64xf32, #tpu.memory_space<hbm>> -> memref<625x64xf32, #tpu.memory_space<hbm>>
      tpu.enqueue_dma source(%dma_start3A_171 : memref<625x64xf32, #tpu.memory_space<hbm>>) target(%dma_start3A_169 : memref<625x64xf32, #tpu.memory_space<vmem_shared>>) target_semaphore(%run_scoped3A : memref<!tpu.dma_semaphore, #tpu.memory_space<semaphore_mem>>)
      %dma_wait3A_172 = arith.constant 0 : i32
      %dma_wait3A_173 = tpu.memref_slice %arg6[%mul3A_2, %dma_wait3A_172] : memref<10000x64xf32, #tpu.memory_space<vmem_shared>> -> memref<625x64xf32, #tpu.memory_space<vmem_shared>>
      %dma_wait3A_174 = arith.constant 0 : i32
      %dma_wait3A_175 = tpu.memref_slice %arg4[%mul3A_2, %dma_wait3A_174] : memref<10000x64xf32, #tpu.memory_space<hbm>> -> memref<625x64xf32, #tpu.memory_space<hbm>>
      tpu.wait_dma2 semaphore(%run_scoped3A : memref<!tpu.dma_semaphore, #tpu.memory_space<semaphore_mem>>) src(%dma_wait3A_175 : memref<625x64xf32, #tpu.memory_space<hbm>>) dst(%dma_wait3A_173 : memref<625x64xf32, #tpu.memory_space<vmem_shared>>)
      tpu.yield
    }) : () -> ()
    %barrier3A = arith.constant 0 : index
    tpu.barrier barrier_id(%barrier3A)
    %scan3A = arith.constant 0 : i32
    %scan3A_33 = arith.constant 0 : i32
    %scan3A_34 = arith.constant 15 : i32
    %scan3A_35 = arith.addi %scan3A_33, %scan3A_34 : i32
    %scan3A_36 = arith.constant 1 : i32
    scf.for %scan3A_168 = %scan3A_33 to %scan3A_35 step %scan3A_36  : i32 {
      %mul3A_169 = arith.constant 5 : i32
      %mul3A_170 = arith.muli %mul3A_169, %scan3A_168 : i32
      %add3A_171 = arith.constant 0 : i32
      %add3A_172 = arith.addi %mul3A_170, %add3A_171 : i32
      %mul3A_173 = arith.constant 256 : i32
      %mul3A_174 = arith.muli %add3A_172, %mul3A_173 : i32
      %add3A_175 = arith.addi %mul3A_4, %mul3A_174 : i32
      %dma_wait3A_176 = tpu.memref_slice %arg3[%add3A_175] : memref<320000xi32, #tpu.memory_space<hbm>> -> memref<256xi32, #tpu.memory_space<hbm>>
      %dma_wait3A_177 = tpu.memref_slice %arg3[%add3A_175] : memref<320000xi32, #tpu.memory_space<hbm>> -> memref<256xi32, #tpu.memory_space<hbm>>
      tpu.wait_dma2 semaphore(%arg19 : memref<!tpu.dma_semaphore, #tpu.memory_space<semaphore_mem>>) src(%dma_wait3A_177 : memref<256xi32, #tpu.memory_space<hbm>>) dst(%arg7 : memref<256xi32, #tpu.memory_space<vmem>>)
      %dma_wait3A_178 = tpu.memref_slice %arg2[%add3A_175, %mul3A_0] : memref<320000x128xf32, #tpu.memory_space<hbm>> -> memref<256x64xf32, #tpu.memory_space<hbm>>
      %dma_wait3A_179 = tpu.memref_slice %arg2[%add3A_175, %mul3A_0] : memref<320000x128xf32, #tpu.memory_space<hbm>> -> memref<256x64xf32, #tpu.memory_space<hbm>>
      tpu.wait_dma2 semaphore(%arg19 : memref<!tpu.dma_semaphore, #tpu.memory_space<semaphore_mem>>) src(%dma_wait3A_179 : memref<256x64xf32, #tpu.memory_space<hbm>>) dst(%arg13 : memref<256x64xf32, #tpu.memory_space<vmem>>)
      %dma_start3A_180 = arith.constant 0 : i32
      %dma_start3A_181 = arith.constant 0 : i32
      %dma_start3A_182 = tpu.memref_slice %arg13[%dma_start3A_180, %dma_start3A_181] : memref<256x64xf32, #tpu.memory_space<vmem>> -> memref<128x64xf32, #tpu.memory_space<vmem>>
      %dma_start3A_183 = arith.constant 0 : i32
      %dma_start3A_184 = tpu.memref_slice %arg7[%dma_start3A_183] : memref<256xi32, #tpu.memory_space<vmem>> -> memref<128xi32, #tpu.memory_space<vmem>>
      %dma_start3A_185 = arith.constant 0 : i32
      %dma_start3A_186 = arith.constant 0 : i32
      %dma_start3A_187 = tpu.memref_slice %arg6[%dma_start3A_185, %dma_start3A_186] : memref<10000x64xf32, #tpu.memory_space<vmem_shared>> -> memref<10000x64xf32, #tpu.memory_space<vmem_shared>>
      tpu.enqueue_indirect_dma source(%dma_start3A_182 : memref<128x64xf32, #tpu.memory_space<vmem>>) target(%dma_start3A_187 : memref<10000x64xf32, #tpu.memory_space<vmem_shared>>) offsets(%dma_start3A_184 : memref<128xi32, #tpu.memory_space<vmem>>) semaphore(%arg24 : memref<!tpu.dma_semaphore, #tpu.memory_space<semaphore_mem>>) {add = true}
      %dma_start3A_188 = arith.constant 128 : i32
      %dma_start3A_189 = arith.constant 0 : i32
      %dma_start3A_190 = tpu.memref_slice %arg13[%dma_start3A_188, %dma_start3A_189] : memref<256x64xf32, #tpu.memory_space<vmem>> -> memref<128x64xf32, #tpu.memory_space<vmem>>
      %dma_start3A_191 = arith.constant 128 : i32
      %dma_start3A_192 = tpu.memref_slice %arg7[%dma_start3A_191] : memref<256xi32, #tpu.memory_space<vmem>> -> memref<128xi32, #tpu.memory_space<vmem>>
      %dma_start3A_193 = arith.constant 0 : i32
      %dma_start3A_194 = arith.constant 0 : i32
      %dma_start3A_195 = tpu.memref_slice %arg6[%dma_start3A_193, %dma_start3A_194] : memref<10000x64xf32, #tpu.memory_space<vmem_shared>> -> memref<10000x64xf32, #tpu.memory_space<vmem_shared>>
      tpu.enqueue_indirect_dma source(%dma_start3A_190 : memref<128x64xf32, #tpu.memory_space<vmem>>) target(%dma_start3A_195 : memref<10000x64xf32, #tpu.memory_space<vmem_shared>>) offsets(%dma_start3A_192 : memref<128xi32, #tpu.memory_space<vmem>>) semaphore(%arg24 : memref<!tpu.dma_semaphore, #tpu.memory_space<semaphore_mem>>) {add = true}
      %dma_wait3A_196 = arith.constant 0 : i32
      %dma_wait3A_197 = arith.constant 0 : i32
      %dma_wait3A_198 = tpu.memref_slice %arg13[%dma_wait3A_196, %dma_wait3A_197] : memref<256x64xf32, #tpu.memory_space<vmem>> -> memref<128x64xf32, #tpu.memory_space<vmem>>
      %dma_wait3A_199 = arith.constant 0 : i32
      %dma_wait3A_200 = tpu.memref_slice %arg7[%dma_wait3A_199] : memref<256xi32, #tpu.memory_space<vmem>> -> memref<128xi32, #tpu.memory_space<vmem>>
      %dma_wait3A_201 = arith.constant 0 : i32
      %dma_wait3A_202 = arith.constant 0 : i32
      %dma_wait3A_203 = tpu.memref_slice %arg6[%dma_wait3A_201, %dma_wait3A_202] : memref<10000x64xf32, #tpu.memory_space<vmem_shared>> -> memref<10000x64xf32, #tpu.memory_space<vmem_shared>>
      tpu.wait_indirect_dma semaphore(%arg24 : memref<!tpu.dma_semaphore, #tpu.memory_space<semaphore_mem>>) src(%dma_wait3A_198 : memref<128x64xf32, #tpu.memory_space<vmem>>) dst(%dma_wait3A_203 : memref<10000x64xf32, #tpu.memory_space<vmem_shared>>)
      %dma_wait3A_204 = arith.constant 128 : i32
      %dma_wait3A_205 = arith.constant 0 : i32
      %dma_wait3A_206 = tpu.memref_slice %arg13[%dma_wait3A_204, %dma_wait3A_205] : memref<256x64xf32, #tpu.memory_space<vmem>> -> memref<128x64xf32, #tpu.memory_space<vmem>>
      %dma_wait3A_207 = arith.constant 128 : i32
      %dma_wait3A_208 = tpu.memref_slice %arg7[%dma_wait3A_207] : memref<256xi32, #tpu.memory_space<vmem>> -> memref<128xi32, #tpu.memory_space<vmem>>
      %dma_wait3A_209 = arith.constant 0 : i32
      %dma_wait3A_210 = arith.constant 0 : i32
      %dma_wait3A_211 = tpu.memref_slice %arg6[%dma_wait3A_209, %dma_wait3A_210] : memref<10000x64xf32, #tpu.memory_space<vmem_shared>> -> memref<10000x64xf32, #tpu.memory_space<vmem_shared>>
      tpu.wait_indirect_dma semaphore(%arg24 : memref<!tpu.dma_semaphore, #tpu.memory_space<semaphore_mem>>) src(%dma_wait3A_206 : memref<128x64xf32, #tpu.memory_space<vmem>>) dst(%dma_wait3A_211 : memref<10000x64xf32, #tpu.memory_space<vmem_shared>>)
      %add3A_212 = arith.constant 0 : i32
      %add3A_213 = arith.addi %mul3A_170, %add3A_212 : i32
      %add3A_214 = arith.constant 5 : i32
      %add3A_215 = arith.addi %add3A_213, %add3A_214 : i32
      %lt3A = arith.constant 78 : i32
      %lt3A_216 = arith.cmpi slt, %add3A_215, %lt3A : i32
      %convert_element_type3A = arith.extui %lt3A_216 : i1 to i32
      %cond3A = arith.constant 0 : i32
      %cond3A_217 = arith.cmpi ne, %convert_element_type3A, %cond3A : i32
      scf.if %cond3A_217 {
        %add3A_418 = arith.constant 0 : i32
        %add3A_419 = arith.addi %mul3A_170, %add3A_418 : i32
        %add3A_420 = arith.constant 5 : i32
        %add3A_421 = arith.addi %add3A_419, %add3A_420 : i32
        %mul3A_422 = arith.constant 256 : i32
        %mul3A_423 = arith.muli %add3A_421, %mul3A_422 : i32
        %add3A_424 = arith.addi %mul3A_4, %mul3A_423 : i32
        %dma_start3A_425 = tpu.memref_slice %arg3[%add3A_424] : memref<320000xi32, #tpu.memory_space<hbm>> -> memref<256xi32, #tpu.memory_space<hbm>>
        %dma_start3A_426 = tpu.memref_slice %arg3[%add3A_424] : memref<320000xi32, #tpu.memory_space<hbm>> -> memref<256xi32, #tpu.memory_space<hbm>>
        tpu.enqueue_dma source(%dma_start3A_426 : memref<256xi32, #tpu.memory_space<hbm>>) target(%arg7 : memref<256xi32, #tpu.memory_space<vmem>>) target_semaphore(%arg19 : memref<!tpu.dma_semaphore, #tpu.memory_space<semaphore_mem>>)
        %dma_start3A_427 = tpu.memref_slice %arg2[%add3A_424, %mul3A_0] : memref<320000x128xf32, #tpu.memory_space<hbm>> -> memref<256x64xf32, #tpu.memory_space<hbm>>
        %dma_start3A_428 = tpu.memref_slice %arg2[%add3A_424, %mul3A_0] : memref<320000x128xf32, #tpu.memory_space<hbm>> -> memref<256x64xf32, #tpu.memory_space<hbm>>
        tpu.enqueue_dma source(%dma_start3A_428 : memref<256x64xf32, #tpu.memory_space<hbm>>) target(%arg13 : memref<256x64xf32, #tpu.memory_space<vmem>>) target_semaphore(%arg19 : memref<!tpu.dma_semaphore, #tpu.memory_space<semaphore_mem>>)
      } else {
      }
      %add3A_218 = arith.constant 1 : i32
      %add3A_219 = arith.addi %mul3A_170, %add3A_218 : i32
      %mul3A_220 = arith.constant 256 : i32
      %mul3A_221 = arith.muli %add3A_219, %mul3A_220 : i32
      %add3A_222 = arith.addi %mul3A_4, %mul3A_221 : i32
      %dma_wait3A_223 = tpu.memref_slice %arg3[%add3A_222] : memref<320000xi32, #tpu.memory_space<hbm>> -> memref<256xi32, #tpu.memory_space<hbm>>
      %dma_wait3A_224 = tpu.memref_slice %arg3[%add3A_222] : memref<320000xi32, #tpu.memory_space<hbm>> -> memref<256xi32, #tpu.memory_space<hbm>>
      tpu.wait_dma2 semaphore(%arg20 : memref<!tpu.dma_semaphore, #tpu.memory_space<semaphore_mem>>) src(%dma_wait3A_224 : memref<256xi32, #tpu.memory_space<hbm>>) dst(%arg8 : memref<256xi32, #tpu.memory_space<vmem>>)
      %dma_wait3A_225 = tpu.memref_slice %arg2[%add3A_222, %mul3A_0] : memref<320000x128xf32, #tpu.memory_space<hbm>> -> memref<256x64xf32, #tpu.memory_space<hbm>>
      %dma_wait3A_226 = tpu.memref_slice %arg2[%add3A_222, %mul3A_0] : memref<320000x128xf32, #tpu.memory_space<hbm>> -> memref<256x64xf32, #tpu.memory_space<hbm>>
      tpu.wait_dma2 semaphore(%arg20 : memref<!tpu.dma_semaphore, #tpu.memory_space<semaphore_mem>>) src(%dma_wait3A_226 : memref<256x64xf32, #tpu.memory_space<hbm>>) dst(%arg14 : memref<256x64xf32, #tpu.memory_space<vmem>>)
      %dma_start3A_227 = arith.constant 0 : i32
      %dma_start3A_228 = arith.constant 0 : i32
      %dma_start3A_229 = tpu.memref_slice %arg14[%dma_start3A_227, %dma_start3A_228] : memref<256x64xf32, #tpu.memory_space<vmem>> -> memref<128x64xf32, #tpu.memory_space<vmem>>
      %dma_start3A_230 = arith.constant 0 : i32
      %dma_start3A_231 = tpu.memref_slice %arg8[%dma_start3A_230] : memref<256xi32, #tpu.memory_space<vmem>> -> memref<128xi32, #tpu.memory_space<vmem>>
      %dma_start3A_232 = arith.constant 0 : i32
      %dma_start3A_233 = arith.constant 0 : i32
      %dma_start3A_234 = tpu.memref_slice %arg6[%dma_start3A_232, %dma_start3A_233] : memref<10000x64xf32, #tpu.memory_space<vmem_shared>> -> memref<10000x64xf32, #tpu.memory_space<vmem_shared>>
      tpu.enqueue_indirect_dma source(%dma_start3A_229 : memref<128x64xf32, #tpu.memory_space<vmem>>) target(%dma_start3A_234 : memref<10000x64xf32, #tpu.memory_space<vmem_shared>>) offsets(%dma_start3A_231 : memref<128xi32, #tpu.memory_space<vmem>>) semaphore(%arg24 : memref<!tpu.dma_semaphore, #tpu.memory_space<semaphore_mem>>) {add = true}
      %dma_start3A_235 = arith.constant 128 : i32
      %dma_start3A_236 = arith.constant 0 : i32
      %dma_start3A_237 = tpu.memref_slice %arg14[%dma_start3A_235, %dma_start3A_236] : memref<256x64xf32, #tpu.memory_space<vmem>> -> memref<128x64xf32, #tpu.memory_space<vmem>>
      %dma_start3A_238 = arith.constant 128 : i32
      %dma_start3A_239 = tpu.memref_slice %arg8[%dma_start3A_238] : memref<256xi32, #tpu.memory_space<vmem>> -> memref<128xi32, #tpu.memory_space<vmem>>
      %dma_start3A_240 = arith.constant 0 : i32
      %dma_start3A_241 = arith.constant 0 : i32
      %dma_start3A_242 = tpu.memref_slice %arg6[%dma_start3A_240, %dma_start3A_241] : memref<10000x64xf32, #tpu.memory_space<vmem_shared>> -> memref<10000x64xf32, #tpu.memory_space<vmem_shared>>
      tpu.enqueue_indirect_dma source(%dma_start3A_237 : memref<128x64xf32, #tpu.memory_space<vmem>>) target(%dma_start3A_242 : memref<10000x64xf32, #tpu.memory_space<vmem_shared>>) offsets(%dma_start3A_239 : memref<128xi32, #tpu.memory_space<vmem>>) semaphore(%arg24 : memref<!tpu.dma_semaphore, #tpu.memory_space<semaphore_mem>>) {add = true}
      %dma_wait3A_243 = arith.constant 0 : i32
      %dma_wait3A_244 = arith.constant 0 : i32
      %dma_wait3A_245 = tpu.memref_slice %arg14[%dma_wait3A_243, %dma_wait3A_244] : memref<256x64xf32, #tpu.memory_space<vmem>> -> memref<128x64xf32, #tpu.memory_space<vmem>>
      %dma_wait3A_246 = arith.constant 0 : i32
      %dma_wait3A_247 = tpu.memref_slice %arg8[%dma_wait3A_246] : memref<256xi32, #tpu.memory_space<vmem>> -> memref<128xi32, #tpu.memory_space<vmem>>
      %dma_wait3A_248 = arith.constant 0 : i32
      %dma_wait3A_249 = arith.constant 0 : i32
      %dma_wait3A_250 = tpu.memref_slice %arg6[%dma_wait3A_248, %dma_wait3A_249] : memref<10000x64xf32, #tpu.memory_space<vmem_shared>> -> memref<10000x64xf32, #tpu.memory_space<vmem_shared>>
      tpu.wait_indirect_dma semaphore(%arg24 : memref<!tpu.dma_semaphore, #tpu.memory_space<semaphore_mem>>) src(%dma_wait3A_245 : memref<128x64xf32, #tpu.memory_space<vmem>>) dst(%dma_wait3A_250 : memref<10000x64xf32, #tpu.memory_space<vmem_shared>>)
      %dma_wait3A_251 = arith.constant 128 : i32
      %dma_wait3A_252 = arith.constant 0 : i32
      %dma_wait3A_253 = tpu.memref_slice %arg14[%dma_wait3A_251, %dma_wait3A_252] : memref<256x64xf32, #tpu.memory_space<vmem>> -> memref<128x64xf32, #tpu.memory_space<vmem>>
      %dma_wait3A_254 = arith.constant 128 : i32
      %dma_wait3A_255 = tpu.memref_slice %arg8[%dma_wait3A_254] : memref<256xi32, #tpu.memory_space<vmem>> -> memref<128xi32, #tpu.memory_space<vmem>>
      %dma_wait3A_256 = arith.constant 0 : i32
      %dma_wait3A_257 = arith.constant 0 : i32
      %dma_wait3A_258 = tpu.memref_slice %arg6[%dma_wait3A_256, %dma_wait3A_257] : memref<10000x64xf32, #tpu.memory_space<vmem_shared>> -> memref<10000x64xf32, #tpu.memory_space<vmem_shared>>
      tpu.wait_indirect_dma semaphore(%arg24 : memref<!tpu.dma_semaphore, #tpu.memory_space<semaphore_mem>>) src(%dma_wait3A_253 : memref<128x64xf32, #tpu.memory_space<vmem>>) dst(%dma_wait3A_258 : memref<10000x64xf32, #tpu.memory_space<vmem_shared>>)
      %add3A_259 = arith.constant 1 : i32
      %add3A_260 = arith.addi %mul3A_170, %add3A_259 : i32
      %add3A_261 = arith.constant 5 : i32
      %add3A_262 = arith.addi %add3A_260, %add3A_261 : i32
      %lt3A_263 = arith.constant 78 : i32
      %lt3A_264 = arith.cmpi slt, %add3A_262, %lt3A_263 : i32
      %convert_element_type3A_265 = arith.extui %lt3A_264 : i1 to i32
      %cond3A_266 = arith.constant 0 : i32
      %cond3A_267 = arith.cmpi ne, %convert_element_type3A_265, %cond3A_266 : i32
      scf.if %cond3A_267 {
        %add3A_418 = arith.constant 1 : i32
        %add3A_419 = arith.addi %mul3A_170, %add3A_418 : i32
        %add3A_420 = arith.constant 5 : i32
        %add3A_421 = arith.addi %add3A_419, %add3A_420 : i32
        %mul3A_422 = arith.constant 256 : i32
        %mul3A_423 = arith.muli %add3A_421, %mul3A_422 : i32
        %add3A_424 = arith.addi %mul3A_4, %mul3A_423 : i32
        %dma_start3A_425 = tpu.memref_slice %arg3[%add3A_424] : memref<320000xi32, #tpu.memory_space<hbm>> -> memref<256xi32, #tpu.memory_space<hbm>>
        %dma_start3A_426 = tpu.memref_slice %arg3[%add3A_424] : memref<320000xi32, #tpu.memory_space<hbm>> -> memref<256xi32, #tpu.memory_space<hbm>>
        tpu.enqueue_dma source(%dma_start3A_426 : memref<256xi32, #tpu.memory_space<hbm>>) target(%arg8 : memref<256xi32, #tpu.memory_space<vmem>>) target_semaphore(%arg20 : memref<!tpu.dma_semaphore, #tpu.memory_space<semaphore_mem>>)
        %dma_start3A_427 = tpu.memref_slice %arg2[%add3A_424, %mul3A_0] : memref<320000x128xf32, #tpu.memory_space<hbm>> -> memref<256x64xf32, #tpu.memory_space<hbm>>
        %dma_start3A_428 = tpu.memref_slice %arg2[%add3A_424, %mul3A_0] : memref<320000x128xf32, #tpu.memory_space<hbm>> -> memref<256x64xf32, #tpu.memory_space<hbm>>
        tpu.enqueue_dma source(%dma_start3A_428 : memref<256x64xf32, #tpu.memory_space<hbm>>) target(%arg14 : memref<256x64xf32, #tpu.memory_space<vmem>>) target_semaphore(%arg20 : memref<!tpu.dma_semaphore, #tpu.memory_space<semaphore_mem>>)
      } else {
      }
      %add3A_268 = arith.constant 2 : i32
      %add3A_269 = arith.addi %mul3A_170, %add3A_268 : i32
      %mul3A_270 = arith.constant 256 : i32
      %mul3A_271 = arith.muli %add3A_269, %mul3A_270 : i32
      %add3A_272 = arith.addi %mul3A_4, %mul3A_271 : i32
      %dma_wait3A_273 = tpu.memref_slice %arg3[%add3A_272] : memref<320000xi32, #tpu.memory_space<hbm>> -> memref<256xi32, #tpu.memory_space<hbm>>
      %dma_wait3A_274 = tpu.memref_slice %arg3[%add3A_272] : memref<320000xi32, #tpu.memory_space<hbm>> -> memref<256xi32, #tpu.memory_space<hbm>>
      tpu.wait_dma2 semaphore(%arg21 : memref<!tpu.dma_semaphore, #tpu.memory_space<semaphore_mem>>) src(%dma_wait3A_274 : memref<256xi32, #tpu.memory_space<hbm>>) dst(%arg9 : memref<256xi32, #tpu.memory_space<vmem>>)
      %dma_wait3A_275 = tpu.memref_slice %arg2[%add3A_272, %mul3A_0] : memref<320000x128xf32, #tpu.memory_space<hbm>> -> memref<256x64xf32, #tpu.memory_space<hbm>>
      %dma_wait3A_276 = tpu.memref_slice %arg2[%add3A_272, %mul3A_0] : memref<320000x128xf32, #tpu.memory_space<hbm>> -> memref<256x64xf32, #tpu.memory_space<hbm>>
      tpu.wait_dma2 semaphore(%arg21 : memref<!tpu.dma_semaphore, #tpu.memory_space<semaphore_mem>>) src(%dma_wait3A_276 : memref<256x64xf32, #tpu.memory_space<hbm>>) dst(%arg15 : memref<256x64xf32, #tpu.memory_space<vmem>>)
      %dma_start3A_277 = arith.constant 0 : i32
      %dma_start3A_278 = arith.constant 0 : i32
      %dma_start3A_279 = tpu.memref_slice %arg15[%dma_start3A_277, %dma_start3A_278] : memref<256x64xf32, #tpu.memory_space<vmem>> -> memref<128x64xf32, #tpu.memory_space<vmem>>
      %dma_start3A_280 = arith.constant 0 : i32
      %dma_start3A_281 = tpu.memref_slice %arg9[%dma_start3A_280] : memref<256xi32, #tpu.memory_space<vmem>> -> memref<128xi32, #tpu.memory_space<vmem>>
      %dma_start3A_282 = arith.constant 0 : i32
      %dma_start3A_283 = arith.constant 0 : i32
      %dma_start3A_284 = tpu.memref_slice %arg6[%dma_start3A_282, %dma_start3A_283] : memref<10000x64xf32, #tpu.memory_space<vmem_shared>> -> memref<10000x64xf32, #tpu.memory_space<vmem_shared>>
      tpu.enqueue_indirect_dma source(%dma_start3A_279 : memref<128x64xf32, #tpu.memory_space<vmem>>) target(%dma_start3A_284 : memref<10000x64xf32, #tpu.memory_space<vmem_shared>>) offsets(%dma_start3A_281 : memref<128xi32, #tpu.memory_space<vmem>>) semaphore(%arg24 : memref<!tpu.dma_semaphore, #tpu.memory_space<semaphore_mem>>) {add = true}
      %dma_start3A_285 = arith.constant 128 : i32
      %dma_start3A_286 = arith.constant 0 : i32
      %dma_start3A_287 = tpu.memref_slice %arg15[%dma_start3A_285, %dma_start3A_286] : memref<256x64xf32, #tpu.memory_space<vmem>> -> memref<128x64xf32, #tpu.memory_space<vmem>>
      %dma_start3A_288 = arith.constant 128 : i32
      %dma_start3A_289 = tpu.memref_slice %arg9[%dma_start3A_288] : memref<256xi32, #tpu.memory_space<vmem>> -> memref<128xi32, #tpu.memory_space<vmem>>
      %dma_start3A_290 = arith.constant 0 : i32
      %dma_start3A_291 = arith.constant 0 : i32
      %dma_start3A_292 = tpu.memref_slice %arg6[%dma_start3A_290, %dma_start3A_291] : memref<10000x64xf32, #tpu.memory_space<vmem_shared>> -> memref<10000x64xf32, #tpu.memory_space<vmem_shared>>
      tpu.enqueue_indirect_dma source(%dma_start3A_287 : memref<128x64xf32, #tpu.memory_space<vmem>>) target(%dma_start3A_292 : memref<10000x64xf32, #tpu.memory_space<vmem_shared>>) offsets(%dma_start3A_289 : memref<128xi32, #tpu.memory_space<vmem>>) semaphore(%arg24 : memref<!tpu.dma_semaphore, #tpu.memory_space<semaphore_mem>>) {add = true}
      %dma_wait3A_293 = arith.constant 0 : i32
      %dma_wait3A_294 = arith.constant 0 : i32
      %dma_wait3A_295 = tpu.memref_slice %arg15[%dma_wait3A_293, %dma_wait3A_294] : memref<256x64xf32, #tpu.memory_space<vmem>> -> memref<128x64xf32, #tpu.memory_space<vmem>>
      %dma_wait3A_296 = arith.constant 0 : i32
      %dma_wait3A_297 = tpu.memref_slice %arg9[%dma_wait3A_296] : memref<256xi32, #tpu.memory_space<vmem>> -> memref<128xi32, #tpu.memory_space<vmem>>
      %dma_wait3A_298 = arith.constant 0 : i32
      %dma_wait3A_299 = arith.constant 0 : i32
      %dma_wait3A_300 = tpu.memref_slice %arg6[%dma_wait3A_298, %dma_wait3A_299] : memref<10000x64xf32, #tpu.memory_space<vmem_shared>> -> memref<10000x64xf32, #tpu.memory_space<vmem_shared>>
      tpu.wait_indirect_dma semaphore(%arg24 : memref<!tpu.dma_semaphore, #tpu.memory_space<semaphore_mem>>) src(%dma_wait3A_295 : memref<128x64xf32, #tpu.memory_space<vmem>>) dst(%dma_wait3A_300 : memref<10000x64xf32, #tpu.memory_space<vmem_shared>>)
      %dma_wait3A_301 = arith.constant 128 : i32
      %dma_wait3A_302 = arith.constant 0 : i32
      %dma_wait3A_303 = tpu.memref_slice %arg15[%dma_wait3A_301, %dma_wait3A_302] : memref<256x64xf32, #tpu.memory_space<vmem>> -> memref<128x64xf32, #tpu.memory_space<vmem>>
      %dma_wait3A_304 = arith.constant 128 : i32
      %dma_wait3A_305 = tpu.memref_slice %arg9[%dma_wait3A_304] : memref<256xi32, #tpu.memory_space<vmem>> -> memref<128xi32, #tpu.memory_space<vmem>>
      %dma_wait3A_306 = arith.constant 0 : i32
      %dma_wait3A_307 = arith.constant 0 : i32
      %dma_wait3A_308 = tpu.memref_slice %arg6[%dma_wait3A_306, %dma_wait3A_307] : memref<10000x64xf32, #tpu.memory_space<vmem_shared>> -> memref<10000x64xf32, #tpu.memory_space<vmem_shared>>
      tpu.wait_indirect_dma semaphore(%arg24 : memref<!tpu.dma_semaphore, #tpu.memory_space<semaphore_mem>>) src(%dma_wait3A_303 : memref<128x64xf32, #tpu.memory_space<vmem>>) dst(%dma_wait3A_308 : memref<10000x64xf32, #tpu.memory_space<vmem_shared>>)
      %add3A_309 = arith.constant 2 : i32
      %add3A_310 = arith.addi %mul3A_170, %add3A_309 : i32
      %add3A_311 = arith.constant 5 : i32
      %add3A_312 = arith.addi %add3A_310, %add3A_311 : i32
      %lt3A_313 = arith.constant 78 : i32
      %lt3A_314 = arith.cmpi slt, %add3A_312, %lt3A_313 : i32
      %convert_element_type3A_315 = arith.extui %lt3A_314 : i1 to i32
      %cond3A_316 = arith.constant 0 : i32
      %cond3A_317 = arith.cmpi ne, %convert_element_type3A_315, %cond3A_316 : i32
      scf.if %cond3A_317 {
        %add3A_418 = arith.constant 2 : i32
        %add3A_419 = arith.addi %mul3A_170, %add3A_418 : i32
        %add3A_420 = arith.constant 5 : i32
        %add3A_421 = arith.addi %add3A_419, %add3A_420 : i32
        %mul3A_422 = arith.constant 256 : i32
        %mul3A_423 = arith.muli %add3A_421, %mul3A_422 : i32
        %add3A_424 = arith.addi %mul3A_4, %mul3A_423 : i32
        %dma_start3A_425 = tpu.memref_slice %arg3[%add3A_424] : memref<320000xi32, #tpu.memory_space<hbm>> -> memref<256xi32, #tpu.memory_space<hbm>>
        %dma_start3A_426 = tpu.memref_slice %arg3[%add3A_424] : memref<320000xi32, #tpu.memory_space<hbm>> -> memref<256xi32, #tpu.memory_space<hbm>>
        tpu.enqueue_dma source(%dma_start3A_426 : memref<256xi32, #tpu.memory_space<hbm>>) target(%arg9 : memref<256xi32, #tpu.memory_space<vmem>>) target_semaphore(%arg21 : memref<!tpu.dma_semaphore, #tpu.memory_space<semaphore_mem>>)
        %dma_start3A_427 = tpu.memref_slice %arg2[%add3A_424, %mul3A_0] : memref<320000x128xf32, #tpu.memory_space<hbm>> -> memref<256x64xf32, #tpu.memory_space<hbm>>
        %dma_start3A_428 = tpu.memref_slice %arg2[%add3A_424, %mul3A_0] : memref<320000x128xf32, #tpu.memory_space<hbm>> -> memref<256x64xf32, #tpu.memory_space<hbm>>
        tpu.enqueue_dma source(%dma_start3A_428 : memref<256x64xf32, #tpu.memory_space<hbm>>) target(%arg15 : memref<256x64xf32, #tpu.memory_space<vmem>>) target_semaphore(%arg21 : memref<!tpu.dma_semaphore, #tpu.memory_space<semaphore_mem>>)
      } else {
      }
      %add3A_318 = arith.constant 3 : i32
      %add3A_319 = arith.addi %mul3A_170, %add3A_318 : i32
      %mul3A_320 = arith.constant 256 : i32
      %mul3A_321 = arith.muli %add3A_319, %mul3A_320 : i32
      %add3A_322 = arith.addi %mul3A_4, %mul3A_321 : i32
      %dma_wait3A_323 = tpu.memref_slice %arg3[%add3A_322] : memref<320000xi32, #tpu.memory_space<hbm>> -> memref<256xi32, #tpu.memory_space<hbm>>
      %dma_wait3A_324 = tpu.memref_slice %arg3[%add3A_322] : memref<320000xi32, #tpu.memory_space<hbm>> -> memref<256xi32, #tpu.memory_space<hbm>>
      tpu.wait_dma2 semaphore(%arg22 : memref<!tpu.dma_semaphore, #tpu.memory_space<semaphore_mem>>) src(%dma_wait3A_324 : memref<256xi32, #tpu.memory_space<hbm>>) dst(%arg10 : memref<256xi32, #tpu.memory_space<vmem>>)
      %dma_wait3A_325 = tpu.memref_slice %arg2[%add3A_322, %mul3A_0] : memref<320000x128xf32, #tpu.memory_space<hbm>> -> memref<256x64xf32, #tpu.memory_space<hbm>>
      %dma_wait3A_326 = tpu.memref_slice %arg2[%add3A_322, %mul3A_0] : memref<320000x128xf32, #tpu.memory_space<hbm>> -> memref<256x64xf32, #tpu.memory_space<hbm>>
      tpu.wait_dma2 semaphore(%arg22 : memref<!tpu.dma_semaphore, #tpu.memory_space<semaphore_mem>>) src(%dma_wait3A_326 : memref<256x64xf32, #tpu.memory_space<hbm>>) dst(%arg16 : memref<256x64xf32, #tpu.memory_space<vmem>>)
      %dma_start3A_327 = arith.constant 0 : i32
      %dma_start3A_328 = arith.constant 0 : i32
      %dma_start3A_329 = tpu.memref_slice %arg16[%dma_start3A_327, %dma_start3A_328] : memref<256x64xf32, #tpu.memory_space<vmem>> -> memref<128x64xf32, #tpu.memory_space<vmem>>
      %dma_start3A_330 = arith.constant 0 : i32
      %dma_start3A_331 = tpu.memref_slice %arg10[%dma_start3A_330] : memref<256xi32, #tpu.memory_space<vmem>> -> memref<128xi32, #tpu.memory_space<vmem>>
      %dma_start3A_332 = arith.constant 0 : i32
      %dma_start3A_333 = arith.constant 0 : i32
      %dma_start3A_334 = tpu.memref_slice %arg6[%dma_start3A_332, %dma_start3A_333] : memref<10000x64xf32, #tpu.memory_space<vmem_shared>> -> memref<10000x64xf32, #tpu.memory_space<vmem_shared>>
      tpu.enqueue_indirect_dma source(%dma_start3A_329 : memref<128x64xf32, #tpu.memory_space<vmem>>) target(%dma_start3A_334 : memref<10000x64xf32, #tpu.memory_space<vmem_shared>>) offsets(%dma_start3A_331 : memref<128xi32, #tpu.memory_space<vmem>>) semaphore(%arg24 : memref<!tpu.dma_semaphore, #tpu.memory_space<semaphore_mem>>) {add = true}
      %dma_start3A_335 = arith.constant 128 : i32
      %dma_start3A_336 = arith.constant 0 : i32
      %dma_start3A_337 = tpu.memref_slice %arg16[%dma_start3A_335, %dma_start3A_336] : memref<256x64xf32, #tpu.memory_space<vmem>> -> memref<128x64xf32, #tpu.memory_space<vmem>>
      %dma_start3A_338 = arith.constant 128 : i32
      %dma_start3A_339 = tpu.memref_slice %arg10[%dma_start3A_338] : memref<256xi32, #tpu.memory_space<vmem>> -> memref<128xi32, #tpu.memory_space<vmem>>
      %dma_start3A_340 = arith.constant 0 : i32
      %dma_start3A_341 = arith.constant 0 : i32
      %dma_start3A_342 = tpu.memref_slice %arg6[%dma_start3A_340, %dma_start3A_341] : memref<10000x64xf32, #tpu.memory_space<vmem_shared>> -> memref<10000x64xf32, #tpu.memory_space<vmem_shared>>
      tpu.enqueue_indirect_dma source(%dma_start3A_337 : memref<128x64xf32, #tpu.memory_space<vmem>>) target(%dma_start3A_342 : memref<10000x64xf32, #tpu.memory_space<vmem_shared>>) offsets(%dma_start3A_339 : memref<128xi32, #tpu.memory_space<vmem>>) semaphore(%arg24 : memref<!tpu.dma_semaphore, #tpu.memory_space<semaphore_mem>>) {add = true}
      %dma_wait3A_343 = arith.constant 0 : i32
      %dma_wait3A_344 = arith.constant 0 : i32
      %dma_wait3A_345 = tpu.memref_slice %arg16[%dma_wait3A_343, %dma_wait3A_344] : memref<256x64xf32, #tpu.memory_space<vmem>> -> memref<128x64xf32, #tpu.memory_space<vmem>>
      %dma_wait3A_346 = arith.constant 0 : i32
      %dma_wait3A_347 = tpu.memref_slice %arg10[%dma_wait3A_346] : memref<256xi32, #tpu.memory_space<vmem>> -> memref<128xi32, #tpu.memory_space<vmem>>
      %dma_wait3A_348 = arith.constant 0 : i32
      %dma_wait3A_349 = arith.constant 0 : i32
      %dma_wait3A_350 = tpu.memref_slice %arg6[%dma_wait3A_348, %dma_wait3A_349] : memref<10000x64xf32, #tpu.memory_space<vmem_shared>> -> memref<10000x64xf32, #tpu.memory_space<vmem_shared>>
      tpu.wait_indirect_dma semaphore(%arg24 : memref<!tpu.dma_semaphore, #tpu.memory_space<semaphore_mem>>) src(%dma_wait3A_345 : memref<128x64xf32, #tpu.memory_space<vmem>>) dst(%dma_wait3A_350 : memref<10000x64xf32, #tpu.memory_space<vmem_shared>>)
      %dma_wait3A_351 = arith.constant 128 : i32
      %dma_wait3A_352 = arith.constant 0 : i32
      %dma_wait3A_353 = tpu.memref_slice %arg16[%dma_wait3A_351, %dma_wait3A_352] : memref<256x64xf32, #tpu.memory_space<vmem>> -> memref<128x64xf32, #tpu.memory_space<vmem>>
      %dma_wait3A_354 = arith.constant 128 : i32
      %dma_wait3A_355 = tpu.memref_slice %arg10[%dma_wait3A_354] : memref<256xi32, #tpu.memory_space<vmem>> -> memref<128xi32, #tpu.memory_space<vmem>>
      %dma_wait3A_356 = arith.constant 0 : i32
      %dma_wait3A_357 = arith.constant 0 : i32
      %dma_wait3A_358 = tpu.memref_slice %arg6[%dma_wait3A_356, %dma_wait3A_357] : memref<10000x64xf32, #tpu.memory_space<vmem_shared>> -> memref<10000x64xf32, #tpu.memory_space<vmem_shared>>
      tpu.wait_indirect_dma semaphore(%arg24 : memref<!tpu.dma_semaphore, #tpu.memory_space<semaphore_mem>>) src(%dma_wait3A_353 : memref<128x64xf32, #tpu.memory_space<vmem>>) dst(%dma_wait3A_358 : memref<10000x64xf32, #tpu.memory_space<vmem_shared>>)
      %add3A_359 = arith.constant 3 : i32
      %add3A_360 = arith.addi %mul3A_170, %add3A_359 : i32
      %add3A_361 = arith.constant 5 : i32
      %add3A_362 = arith.addi %add3A_360, %add3A_361 : i32
      %lt3A_363 = arith.constant 78 : i32
      %lt3A_364 = arith.cmpi slt, %add3A_362, %lt3A_363 : i32
      %convert_element_type3A_365 = arith.extui %lt3A_364 : i1 to i32
      %cond3A_366 = arith.constant 0 : i32
      %cond3A_367 = arith.cmpi ne, %convert_element_type3A_365, %cond3A_366 : i32
      scf.if %cond3A_367 {
        %add3A_418 = arith.constant 3 : i32
        %add3A_419 = arith.addi %mul3A_170, %add3A_418 : i32
        %add3A_420 = arith.constant 5 : i32
        %add3A_421 = arith.addi %add3A_419, %add3A_420 : i32
        %mul3A_422 = arith.constant 256 : i32
        %mul3A_423 = arith.muli %add3A_421, %mul3A_422 : i32
        %add3A_424 = arith.addi %mul3A_4, %mul3A_423 : i32
        %dma_start3A_425 = tpu.memref_slice %arg3[%add3A_424] : memref<320000xi32, #tpu.memory_space<hbm>> -> memref<256xi32, #tpu.memory_space<hbm>>
        %dma_start3A_426 = tpu.memref_slice %arg3[%add3A_424] : memref<320000xi32, #tpu.memory_space<hbm>> -> memref<256xi32, #tpu.memory_space<hbm>>
        tpu.enqueue_dma source(%dma_start3A_426 : memref<256xi32, #tpu.memory_space<hbm>>) target(%arg10 : memref<256xi32, #tpu.memory_space<vmem>>) target_semaphore(%arg22 : memref<!tpu.dma_semaphore, #tpu.memory_space<semaphore_mem>>)
        %dma_start3A_427 = tpu.memref_slice %arg2[%add3A_424, %mul3A_0] : memref<320000x128xf32, #tpu.memory_space<hbm>> -> memref<256x64xf32, #tpu.memory_space<hbm>>
        %dma_start3A_428 = tpu.memref_slice %arg2[%add3A_424, %mul3A_0] : memref<320000x128xf32, #tpu.memory_space<hbm>> -> memref<256x64xf32, #tpu.memory_space<hbm>>
        tpu.enqueue_dma source(%dma_start3A_428 : memref<256x64xf32, #tpu.memory_space<hbm>>) target(%arg16 : memref<256x64xf32, #tpu.memory_space<vmem>>) target_semaphore(%arg22 : memref<!tpu.dma_semaphore, #tpu.memory_space<semaphore_mem>>)
      } else {
      }
      %add3A_368 = arith.constant 4 : i32
      %add3A_369 = arith.addi %mul3A_170, %add3A_368 : i32
      %mul3A_370 = arith.constant 256 : i32
      %mul3A_371 = arith.muli %add3A_369, %mul3A_370 : i32
      %add3A_372 = arith.addi %mul3A_4, %mul3A_371 : i32
      %dma_wait3A_373 = tpu.memref_slice %arg3[%add3A_372] : memref<320000xi32, #tpu.memory_space<hbm>> -> memref<256xi32, #tpu.memory_space<hbm>>
      %dma_wait3A_374 = tpu.memref_slice %arg3[%add3A_372] : memref<320000xi32, #tpu.memory_space<hbm>> -> memref<256xi32, #tpu.memory_space<hbm>>
      tpu.wait_dma2 semaphore(%arg23 : memref<!tpu.dma_semaphore, #tpu.memory_space<semaphore_mem>>) src(%dma_wait3A_374 : memref<256xi32, #tpu.memory_space<hbm>>) dst(%arg11 : memref<256xi32, #tpu.memory_space<vmem>>)
      %dma_wait3A_375 = tpu.memref_slice %arg2[%add3A_372, %mul3A_0] : memref<320000x128xf32, #tpu.memory_space<hbm>> -> memref<256x64xf32, #tpu.memory_space<hbm>>
      %dma_wait3A_376 = tpu.memref_slice %arg2[%add3A_372, %mul3A_0] : memref<320000x128xf32, #tpu.memory_space<hbm>> -> memref<256x64xf32, #tpu.memory_space<hbm>>
      tpu.wait_dma2 semaphore(%arg23 : memref<!tpu.dma_semaphore, #tpu.memory_space<semaphore_mem>>) src(%dma_wait3A_376 : memref<256x64xf32, #tpu.memory_space<hbm>>) dst(%arg17 : memref<256x64xf32, #tpu.memory_space<vmem>>)
      %dma_start3A_377 = arith.constant 0 : i32
      %dma_start3A_378 = arith.constant 0 : i32
      %dma_start3A_379 = tpu.memref_slice %arg17[%dma_start3A_377, %dma_start3A_378] : memref<256x64xf32, #tpu.memory_space<vmem>> -> memref<128x64xf32, #tpu.memory_space<vmem>>
      %dma_start3A_380 = arith.constant 0 : i32
      %dma_start3A_381 = tpu.memref_slice %arg11[%dma_start3A_380] : memref<256xi32, #tpu.memory_space<vmem>> -> memref<128xi32, #tpu.memory_space<vmem>>
      %dma_start3A_382 = arith.constant 0 : i32
      %dma_start3A_383 = arith.constant 0 : i32
      %dma_start3A_384 = tpu.memref_slice %arg6[%dma_start3A_382, %dma_start3A_383] : memref<10000x64xf32, #tpu.memory_space<vmem_shared>> -> memref<10000x64xf32, #tpu.memory_space<vmem_shared>>
      tpu.enqueue_indirect_dma source(%dma_start3A_379 : memref<128x64xf32, #tpu.memory_space<vmem>>) target(%dma_start3A_384 : memref<10000x64xf32, #tpu.memory_space<vmem_shared>>) offsets(%dma_start3A_381 : memref<128xi32, #tpu.memory_space<vmem>>) semaphore(%arg24 : memref<!tpu.dma_semaphore, #tpu.memory_space<semaphore_mem>>) {add = true}
      %dma_start3A_385 = arith.constant 128 : i32
      %dma_start3A_386 = arith.constant 0 : i32
      %dma_start3A_387 = tpu.memref_slice %arg17[%dma_start3A_385, %dma_start3A_386] : memref<256x64xf32, #tpu.memory_space<vmem>> -> memref<128x64xf32, #tpu.memory_space<vmem>>
      %dma_start3A_388 = arith.constant 128 : i32
      %dma_start3A_389 = tpu.memref_slice %arg11[%dma_start3A_388] : memref<256xi32, #tpu.memory_space<vmem>> -> memref<128xi32, #tpu.memory_space<vmem>>
      %dma_start3A_390 = arith.constant 0 : i32
      %dma_start3A_391 = arith.constant 0 : i32
      %dma_start3A_392 = tpu.memref_slice %arg6[%dma_start3A_390, %dma_start3A_391] : memref<10000x64xf32, #tpu.memory_space<vmem_shared>> -> memref<10000x64xf32, #tpu.memory_space<vmem_shared>>
      tpu.enqueue_indirect_dma source(%dma_start3A_387 : memref<128x64xf32, #tpu.memory_space<vmem>>) target(%dma_start3A_392 : memref<10000x64xf32, #tpu.memory_space<vmem_shared>>) offsets(%dma_start3A_389 : memref<128xi32, #tpu.memory_space<vmem>>) semaphore(%arg24 : memref<!tpu.dma_semaphore, #tpu.memory_space<semaphore_mem>>) {add = true}
      %dma_wait3A_393 = arith.constant 0 : i32
      %dma_wait3A_394 = arith.constant 0 : i32
      %dma_wait3A_395 = tpu.memref_slice %arg17[%dma_wait3A_393, %dma_wait3A_394] : memref<256x64xf32, #tpu.memory_space<vmem>> -> memref<128x64xf32, #tpu.memory_space<vmem>>
      %dma_wait3A_396 = arith.constant 0 : i32
      %dma_wait3A_397 = tpu.memref_slice %arg11[%dma_wait3A_396] : memref<256xi32, #tpu.memory_space<vmem>> -> memref<128xi32, #tpu.memory_space<vmem>>
      %dma_wait3A_398 = arith.constant 0 : i32
      %dma_wait3A_399 = arith.constant 0 : i32
      %dma_wait3A_400 = tpu.memref_slice %arg6[%dma_wait3A_398, %dma_wait3A_399] : memref<10000x64xf32, #tpu.memory_space<vmem_shared>> -> memref<10000x64xf32, #tpu.memory_space<vmem_shared>>
      tpu.wait_indirect_dma semaphore(%arg24 : memref<!tpu.dma_semaphore, #tpu.memory_space<semaphore_mem>>) src(%dma_wait3A_395 : memref<128x64xf32, #tpu.memory_space<vmem>>) dst(%dma_wait3A_400 : memref<10000x64xf32, #tpu.memory_space<vmem_shared>>)
      %dma_wait3A_401 = arith.constant 128 : i32
      %dma_wait3A_402 = arith.constant 0 : i32
      %dma_wait3A_403 = tpu.memref_slice %arg17[%dma_wait3A_401, %dma_wait3A_402] : memref<256x64xf32, #tpu.memory_space<vmem>> -> memref<128x64xf32, #tpu.memory_space<vmem>>
      %dma_wait3A_404 = arith.constant 128 : i32
      %dma_wait3A_405 = tpu.memref_slice %arg11[%dma_wait3A_404] : memref<256xi32, #tpu.memory_space<vmem>> -> memref<128xi32, #tpu.memory_space<vmem>>
      %dma_wait3A_406 = arith.constant 0 : i32
      %dma_wait3A_407 = arith.constant 0 : i32
      %dma_wait3A_408 = tpu.memref_slice %arg6[%dma_wait3A_406, %dma_wait3A_407] : memref<10000x64xf32, #tpu.memory_space<vmem_shared>> -> memref<10000x64xf32, #tpu.memory_space<vmem_shared>>
      tpu.wait_indirect_dma semaphore(%arg24 : memref<!tpu.dma_semaphore, #tpu.memory_space<semaphore_mem>>) src(%dma_wait3A_403 : memref<128x64xf32, #tpu.memory_space<vmem>>) dst(%dma_wait3A_408 : memref<10000x64xf32, #tpu.memory_space<vmem_shared>>)
      %add3A_409 = arith.constant 4 : i32
      %add3A_410 = arith.addi %mul3A_170, %add3A_409 : i32
      %add3A_411 = arith.constant 5 : i32
      %add3A_412 = arith.addi %add3A_410, %add3A_411 : i32
      %lt3A_413 = arith.constant 78 : i32
      %lt3A_414 = arith.cmpi slt, %add3A_412, %lt3A_413 : i32
      %convert_element_type3A_415 = arith.extui %lt3A_414 : i1 to i32
      %cond3A_416 = arith.constant 0 : i32
      %cond3A_417 = arith.cmpi ne, %convert_element_type3A_415, %cond3A_416 : i32
      scf.if %cond3A_417 {
        %add3A_418 = arith.constant 4 : i32
        %add3A_419 = arith.addi %mul3A_170, %add3A_418 : i32
        %add3A_420 = arith.constant 5 : i32
        %add3A_421 = arith.addi %add3A_419, %add3A_420 : i32
        %mul3A_422 = arith.constant 256 : i32
        %mul3A_423 = arith.muli %add3A_421, %mul3A_422 : i32
        %add3A_424 = arith.addi %mul3A_4, %mul3A_423 : i32
        %dma_start3A_425 = tpu.memref_slice %arg3[%add3A_424] : memref<320000xi32, #tpu.memory_space<hbm>> -> memref<256xi32, #tpu.memory_space<hbm>>
        %dma_start3A_426 = tpu.memref_slice %arg3[%add3A_424] : memref<320000xi32, #tpu.memory_space<hbm>> -> memref<256xi32, #tpu.memory_space<hbm>>
        tpu.enqueue_dma source(%dma_start3A_426 : memref<256xi32, #tpu.memory_space<hbm>>) target(%arg11 : memref<256xi32, #tpu.memory_space<vmem>>) target_semaphore(%arg23 : memref<!tpu.dma_semaphore, #tpu.memory_space<semaphore_mem>>)
        %dma_start3A_427 = tpu.memref_slice %arg2[%add3A_424, %mul3A_0] : memref<320000x128xf32, #tpu.memory_space<hbm>> -> memref<256x64xf32, #tpu.memory_space<hbm>>
        %dma_start3A_428 = tpu.memref_slice %arg2[%add3A_424, %mul3A_0] : memref<320000x128xf32, #tpu.memory_space<hbm>> -> memref<256x64xf32, #tpu.memory_space<hbm>>
        tpu.enqueue_dma source(%dma_start3A_428 : memref<256x64xf32, #tpu.memory_space<hbm>>) target(%arg17 : memref<256x64xf32, #tpu.memory_space<vmem>>) target_semaphore(%arg23 : memref<!tpu.dma_semaphore, #tpu.memory_space<semaphore_mem>>)
      } else {
      }
    }
    %scan3A_37 = arith.constant 15 : i32
    %add3A_38 = arith.constant 19968 : i32
    %add3A_39 = arith.addi %mul3A_4, %add3A_38 : i32
    %dma_start3A_40 = tpu.memref_slice %arg3[%add3A_39] : memref<320000xi32, #tpu.memory_space<hbm>> -> memref<32xi32, #tpu.memory_space<hbm>>
    %dma_start3A_41 = tpu.memref_slice %arg3[%add3A_39] : memref<320000xi32, #tpu.memory_space<hbm>> -> memref<32xi32, #tpu.memory_space<hbm>>
    tpu.enqueue_dma source(%dma_start3A_41 : memref<32xi32, #tpu.memory_space<hbm>>) target(%arg12 : memref<32xi32, #tpu.memory_space<vmem>>) target_semaphore(%arg22 : memref<!tpu.dma_semaphore, #tpu.memory_space<semaphore_mem>>)
    %dma_start3A_42 = tpu.memref_slice %arg2[%add3A_39, %mul3A_0] : memref<320000x128xf32, #tpu.memory_space<hbm>> -> memref<32x64xf32, #tpu.memory_space<hbm>>
    %dma_start3A_43 = tpu.memref_slice %arg2[%add3A_39, %mul3A_0] : memref<320000x128xf32, #tpu.memory_space<hbm>> -> memref<32x64xf32, #tpu.memory_space<hbm>>
    tpu.enqueue_dma source(%dma_start3A_43 : memref<32x64xf32, #tpu.memory_space<hbm>>) target(%arg18 : memref<32x64xf32, #tpu.memory_space<vmem>>) target_semaphore(%arg22 : memref<!tpu.dma_semaphore, #tpu.memory_space<semaphore_mem>>)
    %add3A_44 = arith.constant 19200 : i32
    %add3A_45 = arith.addi %mul3A_4, %add3A_44 : i32
    %dma_wait3A = tpu.memref_slice %arg3[%add3A_45] : memref<320000xi32, #tpu.memory_space<hbm>> -> memref<256xi32, #tpu.memory_space<hbm>>
    %dma_wait3A_46 = tpu.memref_slice %arg3[%add3A_45] : memref<320000xi32, #tpu.memory_space<hbm>> -> memref<256xi32, #tpu.memory_space<hbm>>
    tpu.wait_dma2 semaphore(%arg19 : memref<!tpu.dma_semaphore, #tpu.memory_space<semaphore_mem>>) src(%dma_wait3A_46 : memref<256xi32, #tpu.memory_space<hbm>>) dst(%arg7 : memref<256xi32, #tpu.memory_space<vmem>>)
    %dma_wait3A_47 = tpu.memref_slice %arg2[%add3A_45, %mul3A_0] : memref<320000x128xf32, #tpu.memory_space<hbm>> -> memref<256x64xf32, #tpu.memory_space<hbm>>
    %dma_wait3A_48 = tpu.memref_slice %arg2[%add3A_45, %mul3A_0] : memref<320000x128xf32, #tpu.memory_space<hbm>> -> memref<256x64xf32, #tpu.memory_space<hbm>>
    tpu.wait_dma2 semaphore(%arg19 : memref<!tpu.dma_semaphore, #tpu.memory_space<semaphore_mem>>) src(%dma_wait3A_48 : memref<256x64xf32, #tpu.memory_space<hbm>>) dst(%arg13 : memref<256x64xf32, #tpu.memory_space<vmem>>)
    %dma_start3A_49 = arith.constant 0 : i32
    %dma_start3A_50 = arith.constant 0 : i32
    %dma_start3A_51 = tpu.memref_slice %arg13[%dma_start3A_49, %dma_start3A_50] : memref<256x64xf32, #tpu.memory_space<vmem>> -> memref<128x64xf32, #tpu.memory_space<vmem>>
    %dma_start3A_52 = arith.constant 0 : i32
    %dma_start3A_53 = tpu.memref_slice %arg7[%dma_start3A_52] : memref<256xi32, #tpu.memory_space<vmem>> -> memref<128xi32, #tpu.memory_space<vmem>>
    %dma_start3A_54 = arith.constant 0 : i32
    %dma_start3A_55 = arith.constant 0 : i32
    %dma_start3A_56 = tpu.memref_slice %arg6[%dma_start3A_54, %dma_start3A_55] : memref<10000x64xf32, #tpu.memory_space<vmem_shared>> -> memref<10000x64xf32, #tpu.memory_space<vmem_shared>>
    tpu.enqueue_indirect_dma source(%dma_start3A_51 : memref<128x64xf32, #tpu.memory_space<vmem>>) target(%dma_start3A_56 : memref<10000x64xf32, #tpu.memory_space<vmem_shared>>) offsets(%dma_start3A_53 : memref<128xi32, #tpu.memory_space<vmem>>) semaphore(%arg24 : memref<!tpu.dma_semaphore, #tpu.memory_space<semaphore_mem>>) {add = true}
    %dma_start3A_57 = arith.constant 128 : i32
    %dma_start3A_58 = arith.constant 0 : i32
    %dma_start3A_59 = tpu.memref_slice %arg13[%dma_start3A_57, %dma_start3A_58] : memref<256x64xf32, #tpu.memory_space<vmem>> -> memref<128x64xf32, #tpu.memory_space<vmem>>
    %dma_start3A_60 = arith.constant 128 : i32
    %dma_start3A_61 = tpu.memref_slice %arg7[%dma_start3A_60] : memref<256xi32, #tpu.memory_space<vmem>> -> memref<128xi32, #tpu.memory_space<vmem>>
    %dma_start3A_62 = arith.constant 0 : i32
    %dma_start3A_63 = arith.constant 0 : i32
    %dma_start3A_64 = tpu.memref_slice %arg6[%dma_start3A_62, %dma_start3A_63] : memref<10000x64xf32, #tpu.memory_space<vmem_shared>> -> memref<10000x64xf32, #tpu.memory_space<vmem_shared>>
    tpu.enqueue_indirect_dma source(%dma_start3A_59 : memref<128x64xf32, #tpu.memory_space<vmem>>) target(%dma_start3A_64 : memref<10000x64xf32, #tpu.memory_space<vmem_shared>>) offsets(%dma_start3A_61 : memref<128xi32, #tpu.memory_space<vmem>>) semaphore(%arg24 : memref<!tpu.dma_semaphore, #tpu.memory_space<semaphore_mem>>) {add = true}
    %dma_wait3A_65 = arith.constant 0 : i32
    %dma_wait3A_66 = arith.constant 0 : i32
    %dma_wait3A_67 = tpu.memref_slice %arg13[%dma_wait3A_65, %dma_wait3A_66] : memref<256x64xf32, #tpu.memory_space<vmem>> -> memref<128x64xf32, #tpu.memory_space<vmem>>
    %dma_wait3A_68 = arith.constant 0 : i32
    %dma_wait3A_69 = tpu.memref_slice %arg7[%dma_wait3A_68] : memref<256xi32, #tpu.memory_space<vmem>> -> memref<128xi32, #tpu.memory_space<vmem>>
    %dma_wait3A_70 = arith.constant 0 : i32
    %dma_wait3A_71 = arith.constant 0 : i32
    %dma_wait3A_72 = tpu.memref_slice %arg6[%dma_wait3A_70, %dma_wait3A_71] : memref<10000x64xf32, #tpu.memory_space<vmem_shared>> -> memref<10000x64xf32, #tpu.memory_space<vmem_shared>>
    tpu.wait_indirect_dma semaphore(%arg24 : memref<!tpu.dma_semaphore, #tpu.memory_space<semaphore_mem>>) src(%dma_wait3A_67 : memref<128x64xf32, #tpu.memory_space<vmem>>) dst(%dma_wait3A_72 : memref<10000x64xf32, #tpu.memory_space<vmem_shared>>)
    %dma_wait3A_73 = arith.constant 128 : i32
    %dma_wait3A_74 = arith.constant 0 : i32
    %dma_wait3A_75 = tpu.memref_slice %arg13[%dma_wait3A_73, %dma_wait3A_74] : memref<256x64xf32, #tpu.memory_space<vmem>> -> memref<128x64xf32, #tpu.memory_space<vmem>>
    %dma_wait3A_76 = arith.constant 128 : i32
    %dma_wait3A_77 = tpu.memref_slice %arg7[%dma_wait3A_76] : memref<256xi32, #tpu.memory_space<vmem>> -> memref<128xi32, #tpu.memory_space<vmem>>
    %dma_wait3A_78 = arith.constant 0 : i32
    %dma_wait3A_79 = arith.constant 0 : i32
    %dma_wait3A_80 = tpu.memref_slice %arg6[%dma_wait3A_78, %dma_wait3A_79] : memref<10000x64xf32, #tpu.memory_space<vmem_shared>> -> memref<10000x64xf32, #tpu.memory_space<vmem_shared>>
    tpu.wait_indirect_dma semaphore(%arg24 : memref<!tpu.dma_semaphore, #tpu.memory_space<semaphore_mem>>) src(%dma_wait3A_75 : memref<128x64xf32, #tpu.memory_space<vmem>>) dst(%dma_wait3A_80 : memref<10000x64xf32, #tpu.memory_space<vmem_shared>>)
    %add3A_81 = arith.constant 19456 : i32
    %add3A_82 = arith.addi %mul3A_4, %add3A_81 : i32
    %dma_wait3A_83 = tpu.memref_slice %arg3[%add3A_82] : memref<320000xi32, #tpu.memory_space<hbm>> -> memref<256xi32, #tpu.memory_space<hbm>>
    %dma_wait3A_84 = tpu.memref_slice %arg3[%add3A_82] : memref<320000xi32, #tpu.memory_space<hbm>> -> memref<256xi32, #tpu.memory_space<hbm>>
    tpu.wait_dma2 semaphore(%arg20 : memref<!tpu.dma_semaphore, #tpu.memory_space<semaphore_mem>>) src(%dma_wait3A_84 : memref<256xi32, #tpu.memory_space<hbm>>) dst(%arg8 : memref<256xi32, #tpu.memory_space<vmem>>)
    %dma_wait3A_85 = tpu.memref_slice %arg2[%add3A_82, %mul3A_0] : memref<320000x128xf32, #tpu.memory_space<hbm>> -> memref<256x64xf32, #tpu.memory_space<hbm>>
    %dma_wait3A_86 = tpu.memref_slice %arg2[%add3A_82, %mul3A_0] : memref<320000x128xf32, #tpu.memory_space<hbm>> -> memref<256x64xf32, #tpu.memory_space<hbm>>
    tpu.wait_dma2 semaphore(%arg20 : memref<!tpu.dma_semaphore, #tpu.memory_space<semaphore_mem>>) src(%dma_wait3A_86 : memref<256x64xf32, #tpu.memory_space<hbm>>) dst(%arg14 : memref<256x64xf32, #tpu.memory_space<vmem>>)
    %dma_start3A_87 = arith.constant 0 : i32
    %dma_start3A_88 = arith.constant 0 : i32
    %dma_start3A_89 = tpu.memref_slice %arg14[%dma_start3A_87, %dma_start3A_88] : memref<256x64xf32, #tpu.memory_space<vmem>> -> memref<128x64xf32, #tpu.memory_space<vmem>>
    %dma_start3A_90 = arith.constant 0 : i32
    %dma_start3A_91 = tpu.memref_slice %arg8[%dma_start3A_90] : memref<256xi32, #tpu.memory_space<vmem>> -> memref<128xi32, #tpu.memory_space<vmem>>
    %dma_start3A_92 = arith.constant 0 : i32
    %dma_start3A_93 = arith.constant 0 : i32
    %dma_start3A_94 = tpu.memref_slice %arg6[%dma_start3A_92, %dma_start3A_93] : memref<10000x64xf32, #tpu.memory_space<vmem_shared>> -> memref<10000x64xf32, #tpu.memory_space<vmem_shared>>
    tpu.enqueue_indirect_dma source(%dma_start3A_89 : memref<128x64xf32, #tpu.memory_space<vmem>>) target(%dma_start3A_94 : memref<10000x64xf32, #tpu.memory_space<vmem_shared>>) offsets(%dma_start3A_91 : memref<128xi32, #tpu.memory_space<vmem>>) semaphore(%arg24 : memref<!tpu.dma_semaphore, #tpu.memory_space<semaphore_mem>>) {add = true}
    %dma_start3A_95 = arith.constant 128 : i32
    %dma_start3A_96 = arith.constant 0 : i32
    %dma_start3A_97 = tpu.memref_slice %arg14[%dma_start3A_95, %dma_start3A_96] : memref<256x64xf32, #tpu.memory_space<vmem>> -> memref<128x64xf32, #tpu.memory_space<vmem>>
    %dma_start3A_98 = arith.constant 128 : i32
    %dma_start3A_99 = tpu.memref_slice %arg8[%dma_start3A_98] : memref<256xi32, #tpu.memory_space<vmem>> -> memref<128xi32, #tpu.memory_space<vmem>>
    %dma_start3A_100 = arith.constant 0 : i32
    %dma_start3A_101 = arith.constant 0 : i32
    %dma_start3A_102 = tpu.memref_slice %arg6[%dma_start3A_100, %dma_start3A_101] : memref<10000x64xf32, #tpu.memory_space<vmem_shared>> -> memref<10000x64xf32, #tpu.memory_space<vmem_shared>>
    tpu.enqueue_indirect_dma source(%dma_start3A_97 : memref<128x64xf32, #tpu.memory_space<vmem>>) target(%dma_start3A_102 : memref<10000x64xf32, #tpu.memory_space<vmem_shared>>) offsets(%dma_start3A_99 : memref<128xi32, #tpu.memory_space<vmem>>) semaphore(%arg24 : memref<!tpu.dma_semaphore, #tpu.memory_space<semaphore_mem>>) {add = true}
    %dma_wait3A_103 = arith.constant 0 : i32
    %dma_wait3A_104 = arith.constant 0 : i32
    %dma_wait3A_105 = tpu.memref_slice %arg14[%dma_wait3A_103, %dma_wait3A_104] : memref<256x64xf32, #tpu.memory_space<vmem>> -> memref<128x64xf32, #tpu.memory_space<vmem>>
    %dma_wait3A_106 = arith.constant 0 : i32
    %dma_wait3A_107 = tpu.memref_slice %arg8[%dma_wait3A_106] : memref<256xi32, #tpu.memory_space<vmem>> -> memref<128xi32, #tpu.memory_space<vmem>>
    %dma_wait3A_108 = arith.constant 0 : i32
    %dma_wait3A_109 = arith.constant 0 : i32
    %dma_wait3A_110 = tpu.memref_slice %arg6[%dma_wait3A_108, %dma_wait3A_109] : memref<10000x64xf32, #tpu.memory_space<vmem_shared>> -> memref<10000x64xf32, #tpu.memory_space<vmem_shared>>
    tpu.wait_indirect_dma semaphore(%arg24 : memref<!tpu.dma_semaphore, #tpu.memory_space<semaphore_mem>>) src(%dma_wait3A_105 : memref<128x64xf32, #tpu.memory_space<vmem>>) dst(%dma_wait3A_110 : memref<10000x64xf32, #tpu.memory_space<vmem_shared>>)
    %dma_wait3A_111 = arith.constant 128 : i32
    %dma_wait3A_112 = arith.constant 0 : i32
    %dma_wait3A_113 = tpu.memref_slice %arg14[%dma_wait3A_111, %dma_wait3A_112] : memref<256x64xf32, #tpu.memory_space<vmem>> -> memref<128x64xf32, #tpu.memory_space<vmem>>
    %dma_wait3A_114 = arith.constant 128 : i32
    %dma_wait3A_115 = tpu.memref_slice %arg8[%dma_wait3A_114] : memref<256xi32, #tpu.memory_space<vmem>> -> memref<128xi32, #tpu.memory_space<vmem>>
    %dma_wait3A_116 = arith.constant 0 : i32
    %dma_wait3A_117 = arith.constant 0 : i32
    %dma_wait3A_118 = tpu.memref_slice %arg6[%dma_wait3A_116, %dma_wait3A_117] : memref<10000x64xf32, #tpu.memory_space<vmem_shared>> -> memref<10000x64xf32, #tpu.memory_space<vmem_shared>>
    tpu.wait_indirect_dma semaphore(%arg24 : memref<!tpu.dma_semaphore, #tpu.memory_space<semaphore_mem>>) src(%dma_wait3A_113 : memref<128x64xf32, #tpu.memory_space<vmem>>) dst(%dma_wait3A_118 : memref<10000x64xf32, #tpu.memory_space<vmem_shared>>)
    %add3A_119 = arith.constant 19712 : i32
    %add3A_120 = arith.addi %mul3A_4, %add3A_119 : i32
    %dma_wait3A_121 = tpu.memref_slice %arg3[%add3A_120] : memref<320000xi32, #tpu.memory_space<hbm>> -> memref<256xi32, #tpu.memory_space<hbm>>
    %dma_wait3A_122 = tpu.memref_slice %arg3[%add3A_120] : memref<320000xi32, #tpu.memory_space<hbm>> -> memref<256xi32, #tpu.memory_space<hbm>>
    tpu.wait_dma2 semaphore(%arg21 : memref<!tpu.dma_semaphore, #tpu.memory_space<semaphore_mem>>) src(%dma_wait3A_122 : memref<256xi32, #tpu.memory_space<hbm>>) dst(%arg9 : memref<256xi32, #tpu.memory_space<vmem>>)
    %dma_wait3A_123 = tpu.memref_slice %arg2[%add3A_120, %mul3A_0] : memref<320000x128xf32, #tpu.memory_space<hbm>> -> memref<256x64xf32, #tpu.memory_space<hbm>>
    %dma_wait3A_124 = tpu.memref_slice %arg2[%add3A_120, %mul3A_0] : memref<320000x128xf32, #tpu.memory_space<hbm>> -> memref<256x64xf32, #tpu.memory_space<hbm>>
    tpu.wait_dma2 semaphore(%arg21 : memref<!tpu.dma_semaphore, #tpu.memory_space<semaphore_mem>>) src(%dma_wait3A_124 : memref<256x64xf32, #tpu.memory_space<hbm>>) dst(%arg15 : memref<256x64xf32, #tpu.memory_space<vmem>>)
    %dma_start3A_125 = arith.constant 0 : i32
    %dma_start3A_126 = arith.constant 0 : i32
    %dma_start3A_127 = tpu.memref_slice %arg15[%dma_start3A_125, %dma_start3A_126] : memref<256x64xf32, #tpu.memory_space<vmem>> -> memref<128x64xf32, #tpu.memory_space<vmem>>
    %dma_start3A_128 = arith.constant 0 : i32
    %dma_start3A_129 = tpu.memref_slice %arg9[%dma_start3A_128] : memref<256xi32, #tpu.memory_space<vmem>> -> memref<128xi32, #tpu.memory_space<vmem>>
    %dma_start3A_130 = arith.constant 0 : i32
    %dma_start3A_131 = arith.constant 0 : i32
    %dma_start3A_132 = tpu.memref_slice %arg6[%dma_start3A_130, %dma_start3A_131] : memref<10000x64xf32, #tpu.memory_space<vmem_shared>> -> memref<10000x64xf32, #tpu.memory_space<vmem_shared>>
    tpu.enqueue_indirect_dma source(%dma_start3A_127 : memref<128x64xf32, #tpu.memory_space<vmem>>) target(%dma_start3A_132 : memref<10000x64xf32, #tpu.memory_space<vmem_shared>>) offsets(%dma_start3A_129 : memref<128xi32, #tpu.memory_space<vmem>>) semaphore(%arg24 : memref<!tpu.dma_semaphore, #tpu.memory_space<semaphore_mem>>) {add = true}
    %dma_start3A_133 = arith.constant 128 : i32
    %dma_start3A_134 = arith.constant 0 : i32
    %dma_start3A_135 = tpu.memref_slice %arg15[%dma_start3A_133, %dma_start3A_134] : memref<256x64xf32, #tpu.memory_space<vmem>> -> memref<128x64xf32, #tpu.memory_space<vmem>>
    %dma_start3A_136 = arith.constant 128 : i32
    %dma_start3A_137 = tpu.memref_slice %arg9[%dma_start3A_136] : memref<256xi32, #tpu.memory_space<vmem>> -> memref<128xi32, #tpu.memory_space<vmem>>
    %dma_start3A_138 = arith.constant 0 : i32
    %dma_start3A_139 = arith.constant 0 : i32
    %dma_start3A_140 = tpu.memref_slice %arg6[%dma_start3A_138, %dma_start3A_139] : memref<10000x64xf32, #tpu.memory_space<vmem_shared>> -> memref<10000x64xf32, #tpu.memory_space<vmem_shared>>
    tpu.enqueue_indirect_dma source(%dma_start3A_135 : memref<128x64xf32, #tpu.memory_space<vmem>>) target(%dma_start3A_140 : memref<10000x64xf32, #tpu.memory_space<vmem_shared>>) offsets(%dma_start3A_137 : memref<128xi32, #tpu.memory_space<vmem>>) semaphore(%arg24 : memref<!tpu.dma_semaphore, #tpu.memory_space<semaphore_mem>>) {add = true}
    %dma_wait3A_141 = arith.constant 0 : i32
    %dma_wait3A_142 = arith.constant 0 : i32
    %dma_wait3A_143 = tpu.memref_slice %arg15[%dma_wait3A_141, %dma_wait3A_142] : memref<256x64xf32, #tpu.memory_space<vmem>> -> memref<128x64xf32, #tpu.memory_space<vmem>>
    %dma_wait3A_144 = arith.constant 0 : i32
    %dma_wait3A_145 = tpu.memref_slice %arg9[%dma_wait3A_144] : memref<256xi32, #tpu.memory_space<vmem>> -> memref<128xi32, #tpu.memory_space<vmem>>
    %dma_wait3A_146 = arith.constant 0 : i32
    %dma_wait3A_147 = arith.constant 0 : i32
    %dma_wait3A_148 = tpu.memref_slice %arg6[%dma_wait3A_146, %dma_wait3A_147] : memref<10000x64xf32, #tpu.memory_space<vmem_shared>> -> memref<10000x64xf32, #tpu.memory_space<vmem_shared>>
    tpu.wait_indirect_dma semaphore(%arg24 : memref<!tpu.dma_semaphore, #tpu.memory_space<semaphore_mem>>) src(%dma_wait3A_143 : memref<128x64xf32, #tpu.memory_space<vmem>>) dst(%dma_wait3A_148 : memref<10000x64xf32, #tpu.memory_space<vmem_shared>>)
    %dma_wait3A_149 = arith.constant 128 : i32
    %dma_wait3A_150 = arith.constant 0 : i32
    %dma_wait3A_151 = tpu.memref_slice %arg15[%dma_wait3A_149, %dma_wait3A_150] : memref<256x64xf32, #tpu.memory_space<vmem>> -> memref<128x64xf32, #tpu.memory_space<vmem>>
    %dma_wait3A_152 = arith.constant 128 : i32
    %dma_wait3A_153 = tpu.memref_slice %arg9[%dma_wait3A_152] : memref<256xi32, #tpu.memory_space<vmem>> -> memref<128xi32, #tpu.memory_space<vmem>>
    %dma_wait3A_154 = arith.constant 0 : i32
    %dma_wait3A_155 = arith.constant 0 : i32
    %dma_wait3A_156 = tpu.memref_slice %arg6[%dma_wait3A_154, %dma_wait3A_155] : memref<10000x64xf32, #tpu.memory_space<vmem_shared>> -> memref<10000x64xf32, #tpu.memory_space<vmem_shared>>
    tpu.wait_indirect_dma semaphore(%arg24 : memref<!tpu.dma_semaphore, #tpu.memory_space<semaphore_mem>>) src(%dma_wait3A_151 : memref<128x64xf32, #tpu.memory_space<vmem>>) dst(%dma_wait3A_156 : memref<10000x64xf32, #tpu.memory_space<vmem_shared>>)
    %dma_wait3A_157 = tpu.memref_slice %arg3[%add3A_39] : memref<320000xi32, #tpu.memory_space<hbm>> -> memref<32xi32, #tpu.memory_space<hbm>>
    %dma_wait3A_158 = tpu.memref_slice %arg3[%add3A_39] : memref<320000xi32, #tpu.memory_space<hbm>> -> memref<32xi32, #tpu.memory_space<hbm>>
    tpu.wait_dma2 semaphore(%arg22 : memref<!tpu.dma_semaphore, #tpu.memory_space<semaphore_mem>>) src(%dma_wait3A_158 : memref<32xi32, #tpu.memory_space<hbm>>) dst(%arg12 : memref<32xi32, #tpu.memory_space<vmem>>)
    %dma_wait3A_159 = tpu.memref_slice %arg2[%add3A_39, %mul3A_0] : memref<320000x128xf32, #tpu.memory_space<hbm>> -> memref<32x64xf32, #tpu.memory_space<hbm>>
    %dma_wait3A_160 = tpu.memref_slice %arg2[%add3A_39, %mul3A_0] : memref<320000x128xf32, #tpu.memory_space<hbm>> -> memref<32x64xf32, #tpu.memory_space<hbm>>
    tpu.wait_dma2 semaphore(%arg22 : memref<!tpu.dma_semaphore, #tpu.memory_space<semaphore_mem>>) src(%dma_wait3A_160 : memref<32x64xf32, #tpu.memory_space<hbm>>) dst(%arg18 : memref<32x64xf32, #tpu.memory_space<vmem>>)
    %dma_start3A_161 = arith.constant 0 : i32
    %dma_start3A_162 = arith.constant 0 : i32
    %dma_start3A_163 = tpu.memref_slice %arg6[%dma_start3A_161, %dma_start3A_162] : memref<10000x64xf32, #tpu.memory_space<vmem_shared>> -> memref<10000x64xf32, #tpu.memory_space<vmem_shared>>
    tpu.enqueue_indirect_dma source(%arg18 : memref<32x64xf32, #tpu.memory_space<vmem>>) target(%dma_start3A_163 : memref<10000x64xf32, #tpu.memory_space<vmem_shared>>) offsets(%arg12 : memref<32xi32, #tpu.memory_space<vmem>>) semaphore(%arg24 : memref<!tpu.dma_semaphore, #tpu.memory_space<semaphore_mem>>) {add = true}
    %dma_wait3A_164 = arith.constant 0 : i32
    %dma_wait3A_165 = arith.constant 0 : i32
    %dma_wait3A_166 = tpu.memref_slice %arg6[%dma_wait3A_164, %dma_wait3A_165] : memref<10000x64xf32, #tpu.memory_space<vmem_shared>> -> memref<10000x64xf32, #tpu.memory_space<vmem_shared>>
    tpu.wait_indirect_dma semaphore(%arg24 : memref<!tpu.dma_semaphore, #tpu.memory_space<semaphore_mem>>) src(%arg18 : memref<32x64xf32, #tpu.memory_space<vmem>>) dst(%dma_wait3A_166 : memref<10000x64xf32, #tpu.memory_space<vmem_shared>>)
    %barrier3A_167 = arith.constant 0 : index
    tpu.barrier barrier_id(%barrier3A_167)
    "tpu.region"() ({
      %run_scoped3A = tpu.sem_alloc : memref<!tpu.dma_semaphore, #tpu.memory_space<semaphore_mem>>
      %dma_start3A_168 = tpu.memref_slice %arg5[%mul3A_2, %mul3A_0] : memref<10000x128xf32, #tpu.memory_space<hbm>> -> memref<625x64xf32, #tpu.memory_space<hbm>>
      %dma_start3A_169 = arith.constant 0 : i32
      %dma_start3A_170 = tpu.memref_slice %arg6[%mul3A_2, %dma_start3A_169] : memref<10000x64xf32, #tpu.memory_space<vmem_shared>> -> memref<625x64xf32, #tpu.memory_space<vmem_shared>>
      tpu.enqueue_dma source(%dma_start3A_170 : memref<625x64xf32, #tpu.memory_space<vmem_shared>>) target(%dma_start3A_168 : memref<625x64xf32, #tpu.memory_space<hbm>>) target_semaphore(%run_scoped3A : memref<!tpu.dma_semaphore, #tpu.memory_space<semaphore_mem>>)
      %dma_wait3A_171 = tpu.memref_slice %arg5[%mul3A_2, %mul3A_0] : memref<10000x128xf32, #tpu.memory_space<hbm>> -> memref<625x64xf32, #tpu.memory_space<hbm>>
      %dma_wait3A_172 = arith.constant 0 : i32
      %dma_wait3A_173 = tpu.memref_slice %arg6[%mul3A_2, %dma_wait3A_172] : memref<10000x64xf32, #tpu.memory_space<vmem_shared>> -> memref<625x64xf32, #tpu.memory_space<vmem_shared>>
      tpu.wait_dma2 semaphore(%run_scoped3A : memref<!tpu.dma_semaphore, #tpu.memory_space<semaphore_mem>>) src(%dma_wait3A_173 : memref<625x64xf32, #tpu.memory_space<vmem_shared>>) dst(%dma_wait3A_171 : memref<625x64xf32, #tpu.memory_space<hbm>>)
      tpu.yield
    }) : () -> ()
    return
  }
}

</mosaic_0001>

<sc_bundles>
// kernel: _segment_sum_sc.3.cloned.1.call-start
scs
__scs_entry_jumppad:
0x0: {  	(pc) =	sbr.rel $0x88, $3  }
0x1: {  	(tag) =	ssettag $0x0;
	lr =	simm.s32 $0x1  }
0x2: {  	[smem:$0x3F9E] =	sst lr;
	_ =	strace $0xD0000000  }
0x3: {  	_ = 	snop  }
0x4: {  	_ = 	snop  }
0x5: {  	_ = 	snop  }
0x6: {  	_ = 	snop  }
0x7: {  	_ = 	snop  }
__scs_overlays_trampoline_lowered:
0x8: {  	[smem:$0x3FAD] =	sst s0  }
0x9: {  	[smem:$0x3FAE] =	sst s1  }
0xa: {  	[smem:$0x3FAF] =	sst s2  }
0xb: {  	[smem:$0x3FB0] =	sst s3  }
0xc: {  	[smem:$0x3FB1] =	sst s4  }
0xd: {  	[smem:$0x3FB2] =	sst s5  }
0xe: {  	[smem:$0x3FB3] =	sst s6  }
0xf: {  	[smem:$0x3FB4] =	sst s7  }
0x10: {  	[smem:$0x3FB5] =	sst s8  }
0x11: {  	[smem:$0x3FB6] =	sst s9;
	s0 =	simm.s32 @!p0 $0x0  }
0x12: {  	s1 =	sld [smem:$0x3F9C];
	s0 =	simm.s32 @p0 $0x1  }
0x13: {  	[smem:$0x3FB7] =	sst s0;
	s0 =	simm.s32 @!p1 $0x0  }
0x14: {  	s2 =	sld [smem:$0x3F9B];
	s0 =	simm.s32 @p1 $0x1  }
0x15: {  	[smem:$0x3FB8] =	sst s0;
	s0 =	simm.s32 @!p2 $0x0  }
0x16: {  	s3 =	sld [smem:$0x3FDB];
	s0 =	simm.s32 @p2 $0x1  }
0x17: {  	s4 =	simm.s32 $0x1BF5;
	[smem:$0x3FBA] =	sst s0  }
0x18: {  	s0 =	sld [smem:$0x3F9D];
	_ =	swait.ge [sflag:s4], $0x0  }
0x19: {  	s7 =	sld [smem:$0x3F9E]  }
0x1a: {  	s8 =	sadd.s32 $0xFFFFE003, lr  }
0x1b: {  	s9 =	sadd.s32 $0xFFFFFEF7, lr;
	s5 =	simm.s32 $0xFFFFFFFF;
	p2 =	slt.u32 s8, $0xFFFFF086  }
0x1c: {  	p1 =	slt.u32 s9, $0xF7A;
	s5 =	simm.s32 @!p2 $0x0  }
0x1d: {  	s5 =	simm.s32 @p1 $0x1;
	p0 =	seq.s32 s7, s2  }
0x1e: {  	s7 =	smul.u32 @!p0 $0xF7A, s2;
	p2 =	seq.s32 @!p0 s5, $0x0  }
0x1f: {  	s9 =	smul.u32 $0xF7A, s1;
	s8 =	simm.s32 @!p0 $0x1BF5;
	p2 =	por !p2, p0  }
0x20: {  	[sflag:s8] =	ssyncset.s32 @!p0 $0xFFFFF086;
	s6 =	sadd.s32 @!p0 s3, s7;
	s7 =	simm.s32 @!p0 $0x108  }
0x21: {  	s3 =	sadd.s32 s3, s9;
	s6 =	sadd.s32 @!p0 $0x88, s6;
	s7 =	simm.s32 @p2 $0x1082  }
0x22: {  	[simem:s7], [sflag:s8] =	dma.local @!p0 [hbm:s6], $0xF7A  }
0x23: {  	s9 =	sor.u32 $0xD0000000, s2;
	s6 =	simm.s32 $0x108;
	_ =	swait.ge @!p0 [sflag:s8], $0x0  }
0x24: {  	s3 =	sadd.s32 $0x88, s3;
	s6 =	simm.s32 @!p1 $0x1082;
	[sflag:s4] =	ssyncset.s32 $0xFFFFF086  }
0x25: {  	[simem:s6], [sflag:s4] =	dma.local [hbm:s3], $0xF7A  }
0x26: {  	[smem:$0x3F9E] =	sst s1;
	(tag) =	ssettag s2;
	_ =	strace s9  }
0x27: {  	s1 =	sld [smem:$0x3FAE]  }
0x28: {  	s2 =	sld [smem:$0x3FAF]  }
0x29: {  	s4 =	sld [smem:$0x3FB1]  }
0x2a: {  	p0 =	seq.s32 s5, $0x0;
	s5 =	sld [smem:$0x3FB2]  }
0x2b: {  	s6 =	sld [smem:$0x3FB3]  }
0x2c: {  	s7 =	sld [smem:$0x3FB4]  }
0x2d: {  	s3 =	simm.s32 $0x108;
	s8 =	sld [smem:$0x3FB5]  }
0x2e: {  	s3 =	simm.s32 @!p0 $0x1082;
	s9 =	sld [smem:$0x3FB6]  }
0x2f: {  	lr =	sadd.s32 s0, s3;
	s0 =	sld [smem:$0x3FAD]  }
0x30: {  	s3 =	sld [smem:$0x3FB0]  }
0x31: {  	[smem:$0x3FB9] =	sst s10  }
0x32: {  	s10 =	sld [smem:$0x3FB7];
	_ =	sdelay $0x3  }
0x33: {  	p0 =	seq.s32 s10, $0x1;
	s10 =	sld [smem:$0x3FB9];
	_ =	sdelay $0x3  }
0x34: {  	[smem:$0x3FB9] =	sst s10  }
0x35: {  	s10 =	sld [smem:$0x3FB8];
	_ =	sdelay $0x3  }
0x36: {  	p1 =	seq.s32 s10, $0x1;
	s10 =	sld [smem:$0x3FB9];
	_ =	sdelay $0x3  }
0x37: {  	[smem:$0x3FB9] =	sst s10  }
0x38: {  	s10 =	sld [smem:$0x3FBA]  }
0x39: {  	_ = 	snop;
	(pc) =	sbr.ind lr, $3  }
0x3a: {  	_ = 	snop  }
0x3b: {  	_ = 	snop  }
0x3c: {  	p2 =	seq.s32 s10, $0x1;
	s10 =	sld [smem:$0x3FB9]  }
0x3d: {  	_ =	shalt  }
0x3e: {  	_ =	shalt  }
0x3f: {  	_ =	shalt  }
0x40: {  	_ =	shalt  }
0x41: {  	_ =	shalt  }
0x42: {  	_ =	shalt  }
0x43: {  	_ =	shalt  }
0x44: {  	_ =	shalt  }
0x45: {  	_ =	shalt  }
0x46: {  	_ =	shalt  }
0x47: {  	_ =	shalt  }
0x48: {  	_ =	shalt  }
0x49: {  	_ =	shalt  }
0x4a: {  	_ =	shalt  }
0x4b: {  	_ =	shalt  }
0x4c: {  	_ =	shalt  }
0x4d: {  	_ =	shalt  }
0x4e: {  	_ =	shalt  }
0x4f: {  	_ =	shalt  }
0x50: {  	_ =	shalt  }
0x51: {  	_ =	shalt  }
0x52: {  	_ =	shalt  }
0x53: {  	_ =	shalt  }
0x54: {  	_ =	shalt  }
0x55: {  	_ =	shalt  }
0x56: {  	_ =	shalt  }
0x57: {  	_ =	shalt  }
0x58: {  	_ =	shalt  }
0x59: {  	_ =	shalt  }
0x5a: {  	_ =	shalt  }
0x5b: {  	_ =	shalt  }
0x5c: {  	_ =	shalt  }
0x5d: {  	_ =	shalt  }
0x5e: {  	_ =	shalt  }
0x5f: {  	_ =	shalt  }
0x60: {  	_ =	shalt  }
0x61: {  	_ =	shalt  }
0x62: {  	_ =	shalt  }
0x63: {  	_ =	shalt  }
0x64: {  	_ =	shalt  }
0x65: {  	_ =	shalt  }
0x66: {  	_ =	shalt  }
0x67: {  	_ =	shalt  }
0x68: {  	_ =	shalt  }
0x69: {  	_ =	shalt  }
0x6a: {  	_ =	shalt  }
0x6b: {  	_ =	shalt  }
0x6c: {  	_ =	shalt  }
0x6d: {  	_ =	shalt  }
0x6e: {  	_ =	shalt  }
0x6f: {  	_ =	shalt  }
0x70: {  	_ =	shalt  }
0x71: {  	_ =	shalt  }
0x72: {  	_ =	shalt  }
0x73: {  	_ =	shalt  }
0x74: {  	_ =	shalt  }
0x75: {  	_ =	shalt  }
0x76: {  	_ =	shalt  }
0x77: {  	_ =	shalt  }
0x78: {  	_ =	shalt  }
0x79: {  	_ =	shalt  }
0x7a: {  	_ =	shalt  }
0x7b: {  	_ =	shalt  }
0x7c: {  	_ =	shalt  }
0x7d: {  	_ =	shalt  }
0x7e: {  	_ =	shalt  }
0x7f: {  	_ =	shalt  }
0x80: {  	_ =	shalt  }
0x81: {  	_ =	shalt  }
0x82: {  	_ =	shalt  }
0x83: {  	_ =	shalt  }
0x84: {  	_ =	shalt  }
0x85: {  	_ =	shalt  }
0x86: {  	_ =	shalt  }
0x87: {  	_ =	shalt  }
.Lfunc_end0:
.L_simem_size_0:
called_computation_lowered:
.L_overlay_start_0:
0x88: {  	s2 =	sld [smem:$0x3FD9]  }
0x89: {  	s3 =	sld [smem:$0x3FFE];
	_ =	sdelay $0x1  }
0x8a: {  	s1 =	srdreg.scid  }
0x8b: {  	s0 =	sand.u32 $0x1, s1  }
0x8c: {  	s17 =	sshll.u32 s0, $0xA;
	s2 =	sadd.s32 s3, s2  }
0x8d: {  	s2 =	sadd.s32 s2, s17  }
0x8e: {  	[smem:$0x3FC5] =	sst s2  }
0x8f: {  	_ = 	snop  }
0x90: {  	s2 =	sld [smem:$0x3FC9]  }
0x91: {  	s18 =	sld [smem:$0x3FC8]  }
0x92: {  	s4 =	sld [smem:$0x3FD0];
	(tm) =	ssettm $0x1  }
0x93: {  	s5 =	sld [smem:$0x3FFB];
	_ =	sdelay $0x3  }
0x94: {  	_ =	strace s5  }
0x95: {  	s5 =	sld [smem:$0x3FFC];
	_ =	sdelay $0x3  }
0x96: {  	_ =	strace s5  }
0x97: {  	s5 =	sld [smem:$0x3FFD];
	_ =	sdelay $0x3  }
0x98: {  	_ =	strace s5  }
0x99: {  	_ =	strace $0x8FFFFFFF  }
0x9a: {  	s19 =	sld [smem:$0x3FDB];
	_ =	sdelay $0x1  }
0x9b: {  	s6 =	simm.s32 $_scs_section_size  }
0x9c: {  	s7 =	simm.s32 $_size__tile_overlayer_lowered;
	s8 =	simm.s32 $_tile_overlayer_lowered  }
0x9d: {  	s22 =	simm.s32 $0x1BFF;
	s21 =	sshll.u32 s8, $0x1;
	s5 =	sadd.s32 s6, s19  }
0x9e: {  	s9 =	simm.s32 $0x0;
	s20 =	sshll.u32 s7, $0x1;
	s7 =	sadd.s32 s21, s5  }
0x9f: {  	[timem:s9], [sflag:s22] =	dma.local [hbm:s7], s20  }
0xa0: {  	_ =	swait.ge [sflag:s22], s20  }
0xa1: {  	s6 =	ssub.s32 $0x0, s20;
	[sflag:s22] =	ssyncset.done $0x0  }
0xa2: {  	[sflag:s22] =	ssyncadd.s32 s6;
	_ =	sdelay $0x1  }
0xa3: {  	s23 =	simm.s32 $0x1B8B  }
0xa4: {  	_ =	swait.ge [sflag:s23], $0x1  }
0xa5: {  	[sflag:s23] =	ssyncset.done $0x0  }
0xa6: {  	s25 =	simm.s32 $0x1B8E;
	s24 =	sld [smem:$0x3FFE];
	[sflag:s23] =	ssyncadd.s32 $0xFFFFFFFF  }
0xa7: {  	s26 =	simm.s32 $execute0_lowered;
	[smem:$0x3FD2] =	sst s25  }
0xa8: {  	s7 =	sshll.u32 s26, $0x1;
	_ =	strace $0x80000046;
	[dreg:$0x1] =	wrdreg $0xFFFFFFFF  }
0xa9: {  	s28 =	simm.s32 $_size_execute0_lowered;
	s5 =	sadd.s32 s5, s7;
	[dreg:$0x0] =	wrdreg $0x0  }
0xaa: {  	s7 =	sshll.u32 s28, $0x1;
	[dreg:$0x2] =	wrdreg s5  }
0xab: {  	[dreg:$0x3] =	wrdreg s7  }
0xac: {  	[dreg:$0x4] =	wrdreg $0xC0  }
0xad: {  	_ =	task [dreg:s9], $0x5FFFF  }
0xae: {  	[dreg:$0x1] =	wrdreg $0xFFFFFFFF  }
0xaf: {  	[dreg:$0x0] =	wrdreg $0x60  }
0xb0: {  	[dreg:$0x2] =	wrdreg s2  }
0xb1: {  	[dreg:$0x3] =	wrdreg s18  }
0xb2: {  	[dreg:$0x4] =	wrdreg s24  }
0xb3: {  	[dreg:$0x5] =	wrdreg s4  }
0xb4: {  	[dreg:$0x6] =	wrdreg $0x0  }
0xb5: {  	[dreg:$0x7] =	wrdreg $0x9  }
0xb6: {  	_ =	task.clear_ibuf [dreg:s9], $0x8FFFF;
	_ =	strace $0x90000046  }
0xb7: {  	s29 =	simm.s32 $0x9;
	_ =	strace $0x80000048  }
0xb8: {  	_ =	swait.ge [sflag:s29], $0x1  }
0xb9: {  	[sflag:s29] =	ssyncadd.s32 $0xFFFFFFFF  }
0xba: {  	_ =	strace $0x90000048  }
0xbb: {  	_ =	sfence  }
0xbc: {  	s30 =	sld [smem:$0x0];
	_ =	sdelay $0x2  }
0xbd: {  	s31 =	sshll.u32 s1, $0xD;
	s1 =	sshrl.u32 s1, $0x2  }
0xbe: {  	s3 =	sand.u32 $0x4000, s31;
	s1 =	sadd.s32 s1, s30  }
0xbf: {  	s0 =	sor.u32 s3, s0;
	s1 =	sshll.u32 s1, $0x11  }
0xc0: {  	s0 =	sor.u32 s1, s0  }
0xc1: {  	s0 =	sadd.s32 $0x8F2B, s0  }
0xc2: {  	[sflag:s0] =	ssyncadd.remote.s32 $0x1  }
0xc3: {  	_ =	sfence.sel $0xFFFF  }
0xc4: {  	[dreg:$0x0] =	wrdreg $0xFFFFFFFF;
	(pc) =	sbr.abs _section_cstart, $3  }
0xc5: {  	[dreg:$0x1] =	wrdreg $0xFFFFFFFF  }
0xc6: {  	_ =	task.clear_ibuf [dreg:s9], $0x2FFFF;
	_ =	strace $0x9FFFFFFF  }
0xc7: {  	(tm) =	ssettm $0x7FFFFFFF  }
tec
execute0_lowered:
.L_overlay_start_1:
0x0: {  	(tag) =	ssettag $0x1  }
0x1: {  	s14 =	rddreg [dreg:$0x0]  }
0x2: {  	s0 =	rddreg [dreg:$0x1]  }
0x3: {  	s1 =	rddreg [dreg:$0x2]  }
0x4: {  	s2 =	rddreg [dreg:$0x3]  }
0x5: {  	s3 =	rddreg [dreg:$0x4];
	s4 =	simm.s32 $0x0;
	s15 =	stileid.u32  }
0x6: {  	s6 =	srdreg.scid;
	s29 =	simm.s32 $0x9C40;
	s5 =	smul.u32 $0x9C40, s15  }
0x7: {  	s30 =	simm.s32 $0x40;
	s31 =	simm.s32 $0x80;
	s8 =	smul.u32 $0x271000, s15  }
0x8: {  	[smem:$0x7FF] =	sst s4;
	s6 =	sand.u32 $0x1, s6;
	s10 =	smul.u32 $0x4E20, s15  }
0x9: {  	_ =	strace $0x80000047;
	s9 =	ssub.s32 $0x2, s6;
	s6 =	sshll.u32 s6, $0x6  }
0xa: {  	s7 =	sshrl.u32 s5, $0x3;
	s11 =	sshrl.u32 s9, $0x1;
	s16 =	sadd.s32 $0x100, s10  }
0xb: {  	s21 =	sadd.s32 $0x300, s10;
	s22 =	sadd.s32 $0x400, s10;
	s5 =	sadd.s32 s5, s3  }
0xc: {  	s28 =	sadd.s32 $0x4E00, s10;
	s7 =	sadd.s32 s7, s1;
	s1 =	sor.u32 s6, s8  }
0xd: {  	s8 =	ssub.s32 s9, s11;
	s11 =	sshrl.u32 s10, $0x3;
	s17 =	sshrl.u32 s16, $0x3  }
0xe: {  	s23 =	sshrl.u32 s21, $0x3;
	[dreg:$0x10] =	wrdreg s5;
	s5 =	sshrl.u32 s28, $0x3  }
0xf: {  	s12 =	sshrl.u32 s1, $0x3;
	s9 =	sadd.s32 s0, s11;
	s11 =	sadd.s32 s0, s17  }
0x10: {  	s7 =	sadd.s32 $0x400, s7;
	s17 =	sadd.s32 $0x48000, s1;
	[dreg:$0x6] =	wrdreg s9  }
0x11: {  	s5 =	sadd.s32 s0, s5;
	s13 =	sadd.s32 s14, s12;
	[dreg:$0x8] =	wrdreg s11  }
0x12: {  	s9 =	sshll.u32 s16, $0x7;
	s12 =	sadd.s32 $0x200, s10;
	[dreg:$0x11] =	wrdreg s7  }
0x13: {  	s10 =	sshll.u32 s28, $0x7;
	[dreg:$0x14] =	wrdreg s5;
	s28 =	sadd.s32 $0x28000, s1  }
0x14: {  	[dreg:$0x7] =	wrdreg s13;
	s9 =	sor.u32 s6, s9;
	s18 =	sshll.u32 s12, $0x7  }
0x15: {  	s12 =	sshrl.u32 s12, $0x3;
	s13 =	sshll.u32 s22, $0x7;
	s16 =	sor.u32 s6, s10  }
0x16: {  	[dreg:$0x1b] =	wrdreg s28;
	s10 =	simm.s32 $0xA040;
	s9 =	sshrl.u32 s9, $0x3  }
0x17: {  	s11 =	sor.u32 s6, s18;
	s19 =	sadd.s32 s0, s12;
	s12 =	sadd.s32 s0, s23  }
0x18: {  	s24 =	sor.u32 s6, s13;
	s13 =	sshll.u32 s15, $0x6;
	s7 =	sshrl.u32 s16, $0x3  }
0x19: {  	s18 =	smul.u32 $0x9C4, s15;
	s16 =	simm.s32 $0x6;
	[dreg:$0xa] =	wrdreg s19  }
0x1a: {  	s9 =	sadd.s32 s14, s9;
	s20 =	sshrl.u32 s11, $0x3;
	[dreg:$0xc] =	wrdreg s12  }
0x1b: {  	s11 =	sshrl.u32 s22, $0x3;
	s12 =	sshrl.u32 s24, $0x3;
	s19 =	sadd.s32 s14, s7  }
0x1c: {  	s22 =	sadd.s32 $0x38000, s1;
	s24 =	sadd.s32 $0x30000, s1;
	s7 =	simm.s32 $0x12160  }
0x1d: {  	[dreg:$0x9] =	wrdreg s9;
	s9 =	sadd.s32 s14, s20;
	s25 =	sadd.s32 s0, s11  }
0x1e: {  	s26 =	sadd.s32 s14, s12;
	s11 =	smul.u32 $0x13880, s15;
	s12 =	sor.u32 $0x1C07, s13  }
0x1f: {  	[dreg:$0x15] =	wrdreg s19;
	s20 =	smax.u32 s8, $0x1;
	s23 =	sadd.s32 s18, s0  }
0x20: {  	s5 =	sshrl.u32 s24, $0x3;
	s13 =	simm.s32 $0x1;
	[dreg:$0xb] =	wrdreg s9  }
0x21: {  	s18 =	simm.s32 $0x2;
	s24 =	simm.s32 $0x14160;
	[dreg:$0xe] =	wrdreg s25  }
0x22: {  	s8 =	simm.s32 $0x0;
	s9 =	sshll.u32 s21, $0x7;
	[dreg:$0xf] =	wrdreg s26  }
0x23: {  	[dreg:$0x16] =	wrdreg s20;
	s21 =	sadd.s32 $0x40000, s1;
	s26 =	sadd.s32 s5, s14  }
0x24: {  	s5 =	simm.s32 $0xE160;
	[dreg:$0x12] =	wrdreg s12;
	s9 =	sor.u32 s6, s9  }
0x25: {  	s6 =	sor.u32 s6, s11;
	s0 =	sshrl.u32 s21, $0x3;
	[dreg:$0x1a] =	wrdreg s26  }
0x26: {  	s11 =	simm.s32 $0x1A160;
	s21 =	simm.s32 $0x3;
	s9 =	sshrl.u32 s9, $0x3  }
0x27: {  	s6 =	sshrl.u32 s6, $0x3;
	s0 =	sadd.s32 s0, s14;
	s9 =	sadd.s32 s14, s9  }
0x28: {  	s2 =	sadd.s32 s2, s6;
	[dreg:$0x18] =	wrdreg s0;
	s0 =	simm.s32 $0xA160  }
.Ltmp0:
0x29: {  	[dreg:$0x13] =	wrdreg s2;
	s2 =	sshrl.u32 s17, $0x3;
	(pc) =	sbr.rel .LBB2_1-.Ltmp0, $4  }
0x2a: {  	s6 =	simm.s32 $0x9E40;
	[dreg:$0xd] =	wrdreg s9;
	s2 =	sadd.s32 s2, s14  }
0x2b: {  	s9 =	simm.s32 $0x7;
	[dreg:$0x17] =	wrdreg s2;
	s2 =	sshrl.u32 s22, $0x3  }
0x2c: {  	s17 =	simm.s32 $0x5;
	s22 =	simm.s32 $0x9EC0;
	s25 =	sadd.s32 s2, s14  }
0x2d: {  	s2 =	simm.s32 $0x9D40;
	[dreg:$0x19] =	wrdreg s25;
	s25 =	simm.s32 $0x4  }
.LBB2_4:
0x2e: {  	s1 =	rddreg [dreg:$0x14];
	s9 =	simm.s32 $0xA140  }
0x2f: {  	[tilespmem:s9], [sflag:$0x4] =	stream.linear.gather [hbm4b:s1+s4], $0x20, $0x38;
	[tilespmem:$0x1E960] =	vst v63  }
0x30: {  	s19 =	rddreg [dreg:$0x15];
	s12 =	simm.s32 $0x1E160  }
0x31: {  	[tilespmem:s12], [sflag:$0x4] =	stream.strided.gather [hbm4b:s19+s30], $0x800, s31, s30, $0x38;
	[tilespmem:$0x1E960] =	vst v63  }
0x32: {  	_ =	swait.ge [sflag:s13], $0x100  }
0x33: {  	[sflag:s13] =	ssyncset.done $0x0  }
0x34: {  	[sflag:s13] =	ssyncadd.s32 $0xFFFFFF00  }
0x35: {  	_ =	swait.ge [sflag:s13], $0x4000  }
0x36: {  	[sflag:s13] =	ssyncset.done $0x0  }
0x37: {  	[sflag:s13] =	ssyncadd.s32 $0xFFFFC000  }
0x38: {  	[spmem:s3] =	stream.indirect.scatter.add.f32 [tilespmem:s0], [sflag:$0x6], $0x40, s29, s31, $0xb8;
	[tilespmem:$0x1E960] =	vst v63  }
0x39: {  	s20 =	simm.s32 $0x9CC0;
	s8 =	simm.s32 $0xC160  }
0x3a: {  	[spmem:s3] =	stream.indirect.scatter.add.f32 [tilespmem:s8], [sflag:$0x6], $0x40, s20, s31, $0xb8;
	[tilespmem:$0x1E960] =	vst v63  }
0x3b: {  	_ =	swait.ge [sflag:s16], $0x2000  }
0x3c: {  	[sflag:s16] =	ssyncset.done $0x0  }
0x3d: {  	[sflag:s16] =	ssyncadd.s32 $0xFFFFE000  }
0x3e: {  	_ =	swait.ge [sflag:s16], $0x2000  }
0x3f: {  	[sflag:s16] =	ssyncset.done $0x0  }
0x40: {  	[sflag:s16] =	ssyncadd.s32 $0xFFFFE000  }
0x41: {  	_ =	swait.ge [sflag:s18], $0x100  }
0x42: {  	[sflag:s18] =	ssyncset.done $0x0  }
0x43: {  	[sflag:s18] =	ssyncadd.s32 $0xFFFFFF00  }
0x44: {  	_ =	swait.ge [sflag:s18], $0x4000  }
0x45: {  	[sflag:s18] =	ssyncset.done $0x0  }
0x46: {  	[sflag:s18] =	ssyncadd.s32 $0xFFFFC000  }
0x47: {  	[spmem:s3] =	stream.indirect.scatter.add.f32 [tilespmem:s5], [sflag:$0x6], $0x40, s2, s31, $0xb8;
	[tilespmem:$0x1E960] =	vst v63  }
0x48: {  	s26 =	simm.s32 $0x9DC0;
	s28 =	simm.s32 $0x10160  }
0x49: {  	[spmem:s3] =	stream.indirect.scatter.add.f32 [tilespmem:s28], [sflag:$0x6], $0x40, s26, s31, $0xb8;
	[tilespmem:$0x1E960] =	vst v63  }
0x4a: {  	_ =	swait.ge [sflag:s16], $0x2000  }
0x4b: {  	[sflag:s16] =	ssyncset.done $0x0  }
0x4c: {  	[sflag:s16] =	ssyncadd.s32 $0xFFFFE000  }
0x4d: {  	_ =	swait.ge [sflag:s16], $0x2000  }
0x4e: {  	[sflag:s16] =	ssyncset.done $0x0  }
0x4f: {  	[sflag:s16] =	ssyncadd.s32 $0xFFFFE000  }
0x50: {  	_ =	swait.ge [sflag:s21], $0x100  }
0x51: {  	[sflag:s21] =	ssyncset.done $0x0  }
0x52: {  	[sflag:s21] =	ssyncadd.s32 $0xFFFFFF00  }
0x53: {  	_ =	swait.ge [sflag:s21], $0x4000  }
0x54: {  	[sflag:s21] =	ssyncset.done $0x0  }
0x55: {  	[sflag:s21] =	ssyncadd.s32 $0xFFFFC000  }
0x56: {  	[spmem:s3] =	stream.indirect.scatter.add.f32 [tilespmem:s7], [sflag:$0x6], $0x40, s6, s31, $0xb8;
	[tilespmem:$0x1E960] =	vst v63  }
0x57: {  	_ = 	snop  }
0x58: {  	[spmem:s3] =	stream.indirect.scatter.add.f32 [tilespmem:s24], [sflag:$0x6], $0x40, s22, s31, $0xb8;
	[tilespmem:$0x1E960] =	vst v63  }
0x59: {  	_ =	swait.ge [sflag:s16], $0x2000  }
0x5a: {  	[sflag:s16] =	ssyncset.done $0x0  }
0x5b: {  	[sflag:s16] =	ssyncadd.s32 $0xFFFFE000  }
0x5c: {  	_ =	swait.ge [sflag:s16], $0x2000  }
0x5d: {  	[sflag:s16] =	ssyncset.done $0x0  }
0x5e: {  	[sflag:s16] =	ssyncadd.s32 $0xFFFFE000  }
0x5f: {  	_ =	swait.ge [sflag:s25], $0x20  }
0x60: {  	[sflag:s25] =	ssyncset.done $0x0  }
0x61: {  	[sflag:s25] =	ssyncadd.s32 $0xFFFFFFE0  }
0x62: {  	_ =	swait.ge [sflag:s25], $0x800  }
0x63: {  	[sflag:s25] =	ssyncset.done $0x0  }
0x64: {  	s14 =	simm.s32 $0x20;
	[sflag:s25] =	ssyncadd.s32 $0xFFFFF800  }
0x65: {  	[spmem:s3] =	stream.indirect.scatter.add.f32 [tilespmem:s12], [sflag:$0x6], $0x40, s9, s14, $0xb8;
	[tilespmem:$0x1E960] =	vst v63  }
0x66: {  	_ =	swait.ge [sflag:s16], $0x800  }
0x67: {  	[sflag:s16] =	ssyncset.done $0x0  }
0x68: {  	[sflag:s16] =	ssyncadd.s32 $0xFFFFF800  }
0x69: {  	[bflag:$0x0] =	sbarrier.arrive $0xFFFF  }
0x6a: {  	s12 =	rddreg [dreg:$0x12]  }
0x6b: {  	s19 =	simm.s32 $0x10;
	s15 =	rddreg [dreg:$0x13]  }
0x6c: {  	s20 =	simm.s32 $0x8;
	s9 =	simm.s32 $0x7;
	s14 =	rddreg [dreg:$0x1d]  }
0x6d: {  	[hbm:s15@s19], [sflag:s12] =	dma.strided [spmem:s14@s20], $0x1388, s13, $0x8   }
0x6e: {  	_ =	swait.ge [sflag:s9], $0x1388  }
0x6f: {  	s26 =	rddreg [dreg:$0x1c]  }
0x70: {  	s28 =	rddreg [dreg:$0x16];
	s8 =	sadd.s32 $0x1, s26  }
0x71: {  	p0 =	sne.s32 s8, s28  }
.Ltmp1:
0x72: {  	_ = 	snop;
	(pc) =	sbr.rel @!p0 .LBB2_5-.Ltmp1, $3  }
0x73: {  	_ =	sdelay $0x1  }
0x74: {  	[sflag:s9] =	ssyncset.done $0x0  }
0x75: {  	[sflag:s9] =	ssyncadd.s32 $0xFFFFEC78  }
.LBB2_1:
0x76: {  	[dreg:$0x1c] =	wrdreg s8  }
0x77: {  	s1 =	rddreg [dreg:$0x6]  }
0x78: {  	s19 =	rddreg [dreg:$0x7]  }
0x79: {  	s20 =	rddreg [dreg:$0x8]  }
0x7a: {  	[tilespmem:s29], [sflag:$0x1] =	stream.linear.gather [hbm4b:s1+s4], $0x100, $0x38;
	[tilespmem:$0x1E960] =	vst v63  }
0x7b: {  	s26 =	rddreg [dreg:$0x9]  }
0x7c: {  	[tilespmem:s0], [sflag:$0x1] =	stream.strided.gather [hbm4b:s19+s30], $0x4000, s31, s30, $0x38;
	[tilespmem:$0x1E960] =	vst v63  }
0x7d: {  	s8 =	rddreg [dreg:$0xa]  }
0x7e: {  	[tilespmem:s2], [sflag:$0x2] =	stream.linear.gather [hbm4b:s20+s4], $0x100, $0x38;
	[tilespmem:$0x1E960] =	vst v63  }
0x7f: {  	s14 =	rddreg [dreg:$0xb]  }
0x80: {  	[tilespmem:s5], [sflag:$0x2] =	stream.strided.gather [hbm4b:s26+s30], $0x4000, s31, s30, $0x38;
	[tilespmem:$0x1E960] =	vst v63  }
0x81: {  	s15 =	rddreg [dreg:$0xc]  }
0x82: {  	[tilespmem:s6], [sflag:$0x3] =	stream.linear.gather [hbm4b:s8+s4], $0x100, $0x38;
	[tilespmem:$0x1E960] =	vst v63  }
0x83: {  	s20 =	rddreg [dreg:$0xd]  }
0x84: {  	[tilespmem:s7], [sflag:$0x3] =	stream.strided.gather [hbm4b:s14+s30], $0x4000, s31, s30, $0x38;
	[tilespmem:$0x1E960] =	vst v63  }
0x85: {  	s19 =	simm.s32 $0x9F40;
	s14 =	rddreg [dreg:$0xe]  }
0x86: {  	[tilespmem:s19], [sflag:$0x4] =	stream.linear.gather [hbm4b:s15+s4], $0x100, $0x38;
	[tilespmem:$0x1E960] =	vst v63  }
0x87: {  	s15 =	rddreg [dreg:$0xf]  }
0x88: {  	s26 =	simm.s32 $0x16160;
	s19 =	rddreg [dreg:$0x10]  }
0x89: {  	[tilespmem:s26], [sflag:$0x4] =	stream.strided.gather [hbm4b:s20+s30], $0x4000, s31, s30, $0x38;
	[tilespmem:$0x1E960] =	vst v63  }
0x8a: {  	s20 =	sshrl.u32 s19, $0x3;
	s26 =	rddreg [dreg:$0x11]  }
0x8b: {  	[tilespmem:s10], [sflag:$0x5] =	stream.linear.gather [hbm4b:s14+s4], $0x100, $0x38;
	[tilespmem:$0x1E960] =	vst v63  }
0x8c: {  	[dreg:$0x1d] =	wrdreg s20  }
0x8d: {  	[tilespmem:s11], [sflag:$0x5] =	stream.strided.gather [hbm4b:s15+s30], $0x4000, s31, s30, $0x38;
	[tilespmem:$0x1E960] =	vst v63  }
0x8e: {  	[spmem:s20], [sflag:s12] =	dma.local [hbm:s26], $0x1388  }
0x8f: {  	_ =	swait.ge [sflag:s9], $0x1388  }
0x90: {  	[sflag:s9] =	ssyncset.done $0x0  }
0x91: {  	[sflag:s9] =	ssyncadd.s32 $0xFFFFEC78  }
0x92: {  	[bflag:$0x0] =	sbarrier.arrive $0xFFFF  }
0x93: {  	s8 =	rddreg [dreg:$0x1b]  }
0x94: {  	s9 =	rddreg [dreg:$0x1a]  }
0x95: {  	s14 =	rddreg [dreg:$0x19]  }
0x96: {  	s15 =	rddreg [dreg:$0x18]  }
0x97: {  	s26 =	simm.s32 $0x0;
	s28 =	rddreg [dreg:$0x17]  }
.LBB2_2:
0x98: {  	_ =	swait.ge [sflag:s13], $0x100  }
0x99: {  	[sflag:s13] =	ssyncset.done $0x0  }
0x9a: {  	[sflag:s13] =	ssyncadd.s32 $0xFFFFFF00  }
0x9b: {  	_ =	swait.ge [sflag:s13], $0x4000  }
0x9c: {  	[sflag:s13] =	ssyncset.done $0x0  }
0x9d: {  	[sflag:s13] =	ssyncadd.s32 $0xFFFFC000  }
0x9e: {  	[spmem:s3] =	stream.indirect.scatter.add.f32 [tilespmem:s0], [sflag:$0x6], $0x40, s29, s31, $0xb8;
	[tilespmem:$0x1E960] =	vst v63  }
0x9f: {  	s1 =	simm.s32 $0x9CC0;
	s12 =	simm.s32 $0xC160  }
0xa0: {  	[spmem:s3] =	stream.indirect.scatter.add.f32 [tilespmem:s12], [sflag:$0x6], $0x40, s1, s31, $0xb8;
	[tilespmem:$0x1E960] =	vst v63  }
0xa1: {  	_ =	swait.ge [sflag:s16], $0x2000  }
0xa2: {  	[sflag:s16] =	ssyncset.done $0x0  }
0xa3: {  	[sflag:s16] =	ssyncadd.s32 $0xFFFFE000  }
0xa4: {  	_ =	swait.ge [sflag:s16], $0x2000  }
0xa5: {  	s19 =	sadd.s32 s26, s23;
	[sflag:s16] =	ssyncset.done $0x0  }
0xa6: {  	s20 =	sadd.s32 $0xA0, s19;
	[sflag:s16] =	ssyncadd.s32 $0xFFFFE000  }
0xa7: {  	[tilespmem:s29], [sflag:$0x1] =	stream.linear.gather [hbm4b:s20+s4], $0x100, $0x38;
	[tilespmem:$0x1E960] =	vst v63  }
0xa8: {  	s1 =	sshrl.u32 s8, $0x3;
	s12 =	rddreg [dreg:$0x0]  }
0xa9: {  	s20 =	sadd.s32 s12, s1  }
0xaa: {  	[tilespmem:s0], [sflag:$0x1] =	stream.strided.gather [hbm4b:s20+s30], $0x4000, s31, s30, $0x38;
	[tilespmem:$0x1E960] =	vst v63  }
0xab: {  	_ =	swait.ge [sflag:s18], $0x100  }
0xac: {  	[sflag:s18] =	ssyncset.done $0x0  }
0xad: {  	[sflag:s18] =	ssyncadd.s32 $0xFFFFFF00  }
0xae: {  	_ =	swait.ge [sflag:s18], $0x4000  }
0xaf: {  	[sflag:s18] =	ssyncset.done $0x0  }
0xb0: {  	[sflag:s18] =	ssyncadd.s32 $0xFFFFC000  }
0xb1: {  	[spmem:s3] =	stream.indirect.scatter.add.f32 [tilespmem:s5], [sflag:$0x6], $0x40, s2, s31, $0xb8;
	[tilespmem:$0x1E960] =	vst v63  }
0xb2: {  	s12 =	simm.s32 $0x9DC0;
	s20 =	simm.s32 $0x10160  }
0xb3: {  	[spmem:s3] =	stream.indirect.scatter.add.f32 [tilespmem:s20], [sflag:$0x6], $0x40, s12, s31, $0xb8;
	[tilespmem:$0x1E960] =	vst v63  }
0xb4: {  	_ =	swait.ge [sflag:s16], $0x2000  }
0xb5: {  	[sflag:s16] =	ssyncset.done $0x0  }
0xb6: {  	[sflag:s16] =	ssyncadd.s32 $0xFFFFE000  }
0xb7: {  	_ =	swait.ge [sflag:s16], $0x2000  }
0xb8: {  	[sflag:s16] =	ssyncset.done $0x0  }
0xb9: {  	s12 =	sadd.s32 $0xC0, s19;
	[sflag:s16] =	ssyncadd.s32 $0xFFFFE000  }
0xba: {  	[tilespmem:s2], [sflag:$0x2] =	stream.linear.gather [hbm4b:s12+s4], $0x100, $0x38;
	[tilespmem:$0x1E960] =	vst v63  }
0xbb: {  	_ = 	snop  }
0xbc: {  	[tilespmem:s5], [sflag:$0x2] =	stream.strided.gather [hbm4b:s9+s30], $0x4000, s31, s30, $0x38;
	[tilespmem:$0x1E960] =	vst v63  }
0xbd: {  	_ =	swait.ge [sflag:s21], $0x100  }
0xbe: {  	[sflag:s21] =	ssyncset.done $0x0  }
0xbf: {  	[sflag:s21] =	ssyncadd.s32 $0xFFFFFF00  }
0xc0: {  	_ =	swait.ge [sflag:s21], $0x4000  }
0xc1: {  	[sflag:s21] =	ssyncset.done $0x0  }
0xc2: {  	[sflag:s21] =	ssyncadd.s32 $0xFFFFC000  }
0xc3: {  	[spmem:s3] =	stream.indirect.scatter.add.f32 [tilespmem:s7], [sflag:$0x6], $0x40, s6, s31, $0xb8;
	[tilespmem:$0x1E960] =	vst v63  }
0xc4: {  	_ = 	snop  }
0xc5: {  	[spmem:s3] =	stream.indirect.scatter.add.f32 [tilespmem:s24], [sflag:$0x6], $0x40, s22, s31, $0xb8;
	[tilespmem:$0x1E960] =	vst v63  }
0xc6: {  	_ =	swait.ge [sflag:s16], $0x2000  }
0xc7: {  	[sflag:s16] =	ssyncset.done $0x0  }
0xc8: {  	[sflag:s16] =	ssyncadd.s32 $0xFFFFE000  }
0xc9: {  	_ =	swait.ge [sflag:s16], $0x2000  }
0xca: {  	[sflag:s16] =	ssyncset.done $0x0  }
0xcb: {  	s1 =	sadd.s32 $0xE0, s19;
	[sflag:s16] =	ssyncadd.s32 $0xFFFFE000  }
0xcc: {  	[tilespmem:s6], [sflag:$0x3] =	stream.linear.gather [hbm4b:s1+s4], $0x100, $0x38;
	[tilespmem:$0x1E960] =	vst v63  }
0xcd: {  	_ = 	snop  }
0xce: {  	[tilespmem:s7], [sflag:$0x3] =	stream.strided.gather [hbm4b:s14+s30], $0x4000, s31, s30, $0x38;
	[tilespmem:$0x1E960] =	vst v63  }
0xcf: {  	_ =	swait.ge [sflag:s25], $0x100  }
0xd0: {  	[sflag:s25] =	ssyncset.done $0x0  }
0xd1: {  	[sflag:s25] =	ssyncadd.s32 $0xFFFFFF00  }
0xd2: {  	_ =	swait.ge [sflag:s25], $0x4000  }
0xd3: {  	[sflag:s25] =	ssyncset.done $0x0  }
0xd4: {  	s20 =	simm.s32 $0x16160;
	s12 =	simm.s32 $0x9F40;
	[sflag:s25] =	ssyncadd.s32 $0xFFFFC000  }
0xd5: {  	[spmem:s3] =	stream.indirect.scatter.add.f32 [tilespmem:s20], [sflag:$0x6], $0x40, s12, s31, $0xb8;
	[tilespmem:$0x1E960] =	vst v63  }
0xd6: {  	s12 =	simm.s32 $0x9FC0;
	s20 =	simm.s32 $0x18160  }
0xd7: {  	[spmem:s3] =	stream.indirect.scatter.add.f32 [tilespmem:s20], [sflag:$0x6], $0x40, s12, s31, $0xb8;
	[tilespmem:$0x1E960] =	vst v63  }
0xd8: {  	_ =	swait.ge [sflag:s16], $0x2000  }
0xd9: {  	[sflag:s16] =	ssyncset.done $0x0  }
0xda: {  	[sflag:s16] =	ssyncadd.s32 $0xFFFFE000  }
0xdb: {  	p0 =	seq.s32 s26, $0x8C0;
	_ =	swait.ge [sflag:s16], $0x2000  }
0xdc: {  	s1 =	simm.s32 @!p0 $0x9F40;
	s20 =	sadd.s32 @!p0 s26, s23;
	[sflag:s16] =	ssyncset.done $0x0  }
0xdd: {  	s12 =	simm.s32 @!p0 $0x0;
	s20 =	sadd.s32 @!p0 $0x100, s20;
	[sflag:s16] =	ssyncadd.s32 $0xFFFFE000  }
0xde: {  	[tilespmem:s1], [sflag:$0x4] =	stream.linear.gather @!p0 [hbm4b:s20+s12], $0x100, $0x38;
	[tilespmem:$0x1E960] =	vst v63  }
0xdf: {  	s1 =	simm.s32 @!p0 $0x40;
	s12 =	simm.s32 @!p0 $0x80;
	s20 =	simm.s32 @!p0 $0x16160  }
0xe0: {  	[tilespmem:s20], [sflag:$0x4] =	stream.strided.gather @!p0 [hbm4b:s15+s1], $0x4000, s12, s1, $0x38;
	[tilespmem:$0x1E960] =	vst v63  }
0xe1: {  	_ =	swait.ge [sflag:s17], $0x100  }
0xe2: {  	[sflag:s17] =	ssyncset.done $0x0  }
0xe3: {  	[sflag:s17] =	ssyncadd.s32 $0xFFFFFF00  }
0xe4: {  	_ =	swait.ge [sflag:s17], $0x4000  }
0xe5: {  	[sflag:s17] =	ssyncset.done $0x0  }
0xe6: {  	[sflag:s17] =	ssyncadd.s32 $0xFFFFC000  }
0xe7: {  	[spmem:s3] =	stream.indirect.scatter.add.f32 [tilespmem:s11], [sflag:$0x6], $0x40, s10, s31, $0xb8;
	[tilespmem:$0x1E960] =	vst v63  }
0xe8: {  	s12 =	simm.s32 $0xA0C0;
	s20 =	simm.s32 $0x1C160  }
0xe9: {  	[spmem:s3] =	stream.indirect.scatter.add.f32 [tilespmem:s20], [sflag:$0x6], $0x40, s12, s31, $0xb8;
	[tilespmem:$0x1E960] =	vst v63  }
0xea: {  	_ =	swait.ge [sflag:s16], $0x2000  }
.Ltmp2:
0xeb: {  	[sflag:s16] =	ssyncset.done $0x0;
	(pc) =	sbr.rel @p0 .LBB2_4-.Ltmp2, $4  }
0xec: {  	[sflag:s16] =	ssyncadd.s32 $0xFFFFE000  }
0xed: {  	_ =	swait.ge [sflag:s16], $0x2000  }
0xee: {  	[sflag:s16] =	ssyncset.done $0x0  }
0xef: {  	[sflag:s16] =	ssyncadd.s32 $0xFFFFE000  }
.Ltmp3:
0xf0: {  	s1 =	sadd.s32 $0x120, s19;
	(pc) =	sbr.rel .LBB2_2-.Ltmp3, $4  }
0xf1: {  	[tilespmem:s10], [sflag:$0x5] =	stream.linear.gather [hbm4b:s1+s4], $0x100, $0x38;
	[tilespmem:$0x1E960] =	vst v63  }
0xf2: {  	s26 =	sadd.s32 $0xA0, s26;
	s15 =	sadd.s32 $0x5000, s15;
	s14 =	sadd.s32 $0x5000, s14  }
0xf3: {  	[tilespmem:s11], [sflag:$0x5] =	stream.strided.gather [hbm4b:s28+s30], $0x4000, s31, s30, $0x38;
	[tilespmem:$0x1E960] =	vst v63  }
0xf4: {  	s9 =	sadd.s32 $0x5000, s9;
	s8 =	sadd.s32 $0x28000, s8;
	s28 =	sadd.s32 $0x5000, s28  }
.LBB2_5:
0xf5: {  	_ =	sfence.sel $0x180000  }
0xf6: {  	[bflag:$0x0] =	sbarrier.arrive $0xFFFF  }
0xf7: {  	_ =	strace $0x90000047  }
0xf8: {  	s0 =	stileid.u32;
	[bflag:$0x2] =	sbarrier.arrive $0xFFFF  }
0xf9: {  	p0 =	sne.s32 s0, $0x0;
	s0 =	rddreg [dreg:$0x5]  }
0xfa: {  	s0 =	sadd.s32 @!p0 $0x100000, s0  }
0xfb: {  	[sflag:s0] =	ssyncadd.tile.s32 @!p0 $0x1;
	_ =	shalt  }
.Lfunc_end2:
_tile_overlayer_lowered:
.L_overlay_start_2:
0xfc: {  	(tag) =	ssettag $0x2  }
0xfd: {  	s0 =	rddreg [dreg:$0x0];
	s2 =	stileid.u32  }
0xfe: {  	s1 =	rddreg [dreg:$0x1];
	p0 =	sne.s32 s2, $0x0  }
0xff: {  	s3 =	rddreg [dreg:$0x2];
	[bflag:$0x3] =	sbarrier.arrive $0xFFFF;
	s2 =	simm.s32 @!p0 $0x1C07  }
0x100: {  	[timem:s3], [sflag:s2] =	dma.local @!p0 [hbm:s0], s1  }
0x101: {  	s0 =	simm.s32 @!p0 $0x7  }
0x102: {  	_ =	swait.ge @!p0 [sflag:s0], s1  }
0x103: {  	s1 =	ssub.s32 @!p0 $0x0, s1;
	[sflag:s0] =	ssyncset.done @!p0 $0x0  }
0x104: {  	[sflag:s0] =	ssyncadd.s32 @!p0 s1  }
0x105: {  	[bflag:$0x3] =	sbarrier.arrive $0xFFFF  }
0x106: {  	_ =	shalt  }

</sc_bundles>
